<compile_context>
chip_gen: v7x
topology: tpu7x:2x2x1
jax: 0.10.2.dev20260603
libtpu: 0.0.44.dev20260713+nightly
codegen_flags: <defaults>
</compile_context>

<pallas_src>
import functools

import jax
import jax.numpy as jnp
from jax import lax
from jax.experimental import pallas as pl
from jax.experimental.pallas import tpu as pltpu
from jax.experimental.pallas import tpu_sc as plsc

NNODES = 10000
NPAD = 10240
NC, NS = 2, 16
NW = NC * NS
CHUNK = 128
RPT = NPAD // NS

_MESH = plsc.VectorSubcoreMesh(
    core_axis_name="c", subcore_axis_name="s", num_cores=NC, num_subcores=NS
)


DW = 128


def _make_deg_kernel(epad, cpt):
    @functools.partial(
        pl.kernel,
        out_type=jax.ShapeDtypeStruct((NC * NPAD, DW), jnp.float32),
        mesh=_MESH,
        scratch_types=[
            pltpu.VMEM((CHUNK,), jnp.int32),
            pltpu.VMEM((CHUNK, DW), jnp.float32),
            pltpu.VMEM_SHARED((NPAD, DW), jnp.float32),
        ],
    )
    def deg_kernel(dst_hbm, ones_hbm, zeros_hbm, out_hbm, didx, ones_v, acc):
        c = lax.axis_index("c")
        s = lax.axis_index("s")
        rbase = s * RPT
        pltpu.sync_copy(zeros_hbm.at[pl.ds(rbase, RPT)], acc.at[pl.ds(rbase, RPT)])
        pltpu.sync_copy(ones_hbm, ones_v)
        plsc.subcore_barrier()
        ebase = c * (epad // NC) + s * (cpt * CHUNK)

        def body(i, carry):
            off = ebase + i * CHUNK
            pltpu.sync_copy(dst_hbm.at[pl.ds(off, CHUNK)], didx)
            pltpu.sync_copy(ones_v, acc.at[didx], add=True)
            return carry

        lax.fori_loop(0, cpt, body, 0)
        plsc.subcore_barrier()
        pltpu.sync_copy(
            acc.at[pl.ds(rbase, RPT)], out_hbm.at[pl.ds(c * NPAD + rbase, RPT)]
        )

    return deg_kernel


def _make_agg_kernel(epad, cpt, h):
    @functools.partial(
        pl.kernel,
        out_type=jax.ShapeDtypeStruct((NC * NPAD, h), jnp.float32),
        mesh=_MESH,
        scratch_types=[
            pltpu.VMEM((CHUNK,), jnp.int32),
            pltpu.VMEM((CHUNK,), jnp.int32),
            pltpu.VMEM((CHUNK, h), jnp.float32),
            pltpu.VMEM_SHARED((NPAD, h), jnp.float32),
            pltpu.SemaphoreType.DMA,
        ],
    )
    def agg_kernel(src_hbm, dst_hbm, g_hbm, zeros_hbm, out_hbm,
                   sidx, didx, rows, acc, sem):
        c = lax.axis_index("c")
        s = lax.axis_index("s")
        rbase = s * RPT
        pltpu.sync_copy(zeros_hbm.at[pl.ds(rbase, RPT)], acc.at[pl.ds(rbase, RPT)])
        plsc.subcore_barrier()
        ebase = c * (epad // NC) + s * (cpt * CHUNK)

        def body(i, carry):
            off = ebase + i * CHUNK
            pltpu.sync_copy(src_hbm.at[pl.ds(off, CHUNK)], sidx)
            pltpu.sync_copy(dst_hbm.at[pl.ds(off, CHUNK)], didx)
            pltpu.async_copy(g_hbm.at[sidx], rows, sem).wait()
            pltpu.sync_copy(rows, acc.at[didx], add=True)
            return carry

        lax.fori_loop(0, cpt, body, 0)
        plsc.subcore_barrier()
        pltpu.sync_copy(
            acc.at[pl.ds(rbase, RPT)], out_hbm.at[pl.ds(c * NPAD + rbase, RPT)]
        )

    return agg_kernel


def _tc1_body(cnt_ref, x_ref, w_ref, g_ref, dinv_ref):
    total = cnt_ref[:NPAD, 0:1] + cnt_ref[NPAD:, 0:1]
    dinv = lax.rsqrt(total + 1.0)
    dinv_ref[...] = dinv
    hmat = jnp.dot(x_ref[...], w_ref[...], preferred_element_type=jnp.float32)
    g_ref[...] = hmat * dinv


def _tc_mid_body(agg_ref, g_ref, dinv_ref, b_ref, w_ref, out_ref):
    dinv = dinv_ref[...]
    t = agg_ref[:NPAD] + agg_ref[NPAD:] + g_ref[...]
    hrel = jnp.maximum(t * dinv + b_ref[...], 0.0)
    out_ref[...] = (
        jnp.dot(hrel, w_ref[...], preferred_element_type=jnp.float32) * dinv
    )


def _tc_last_body(agg_ref, g_ref, dinv_ref, b_ref, out_ref):
    t = agg_ref[:NPAD] + agg_ref[NPAD:] + g_ref[...]
    out_ref[...] = jnp.maximum(t * dinv_ref[...] + b_ref[...], 0.0)


def kernel(x, edge_index, W1, b1, W2, b2):
    n, d = x.shape
    h = W1.shape[1]
    e = edge_index.shape[1]
    cpt = -(-e // (NW * CHUNK))
    epad = NW * cpt * CHUNK
    pad = epad - e

    src_p = jnp.concatenate([edge_index[0], jnp.full((pad,), n, jnp.int32)])
    dst_p = jnp.concatenate([edge_index[1], jnp.full((pad,), n, jnp.int32)])
    x_p = jnp.concatenate([x, jnp.zeros((NPAD - n, d), x.dtype)])
    zeros2 = jnp.zeros((NPAD, h), jnp.float32)
    zeros1 = zeros2 if DW == h else jnp.zeros((NPAD, DW), jnp.float32)
    ones1 = jnp.ones((CHUNK, DW), jnp.float32)

    deg_k = _make_deg_kernel(epad, cpt)
    agg_k = _make_agg_kernel(epad, cpt, h)

    cnt = deg_k(dst_p, ones1, zeros1)

    g1, dinv = pl.pallas_call(
        _tc1_body,
        out_shape=(
            jax.ShapeDtypeStruct((NPAD, h), jnp.float32),
            jax.ShapeDtypeStruct((NPAD, 1), jnp.float32),
        ),
    )(cnt, x_p, W1)

    agg1 = agg_k(src_p, dst_p, g1, zeros2)

    g2 = pl.pallas_call(
        _tc_mid_body,
        out_shape=jax.ShapeDtypeStruct((NPAD, h), jnp.float32),
    )(agg1, g1, dinv, b1.reshape(1, h), W2)

    agg2 = agg_k(src_p, dst_p, g2, zeros2)

    out = pl.pallas_call(
        _tc_last_body,
        out_shape=jax.ShapeDtypeStruct((NPAD, h), jnp.float32),
    )(agg2, g2, dinv, b2.reshape(1, h))

    return out[:n]

# --- scband reference (transcript-rebuilt; emitter-appended) ---
"""Pipeline reference for scband-gcnmodule-34677565948514 (READ-ONLY COPY).

The authoritative reference and input builder live on the scoring server;
editing this copy changes nothing except your own understanding.
"""

import jax, jax.numpy as jnp
import numpy as np

N = 10000
E = 320000
D = 128
H = 128


def setup_inputs(seed: int = 0) -> dict:
    key = jax.random.key(seed)
    k1, k2, k3, k4, k5, k6 = jax.random.split(key, 6)
    x = jax.random.normal(k1, (N, D), dtype=jnp.float32)
    edge_index = jax.random.randint(k2, (2, E), 0, N, dtype=jnp.int32)
    W1 = jax.random.normal(k3, (D, H), dtype=jnp.float32) * (1.0 / np.sqrt(D))
    b1 = jnp.zeros((H,), dtype=jnp.float32)
    W2 = jax.random.normal(k4, (H, H), dtype=jnp.float32) * (1.0 / np.sqrt(H))
    b2 = jnp.zeros((H,), dtype=jnp.float32)
    return {"x": x, "edge_index": edge_index, "W1": W1, "b1": b1, "W2": W2, "b2": b2}


def gcn_conv(x, src, dst, W, b, num_nodes):
    # GCNConv: symmetric normalization with added self-loops
    # out = D^{-1/2} (A + I) D^{-1/2} X W + b
    loop = jnp.arange(num_nodes, dtype=src.dtype)
    s = jnp.concatenate([src, loop])
    d = jnp.concatenate([dst, loop])
    deg = jnp.zeros((num_nodes,), dtype=x.dtype).at[d].add(1.0)
    dinv = jnp.where(deg > 0, jax.lax.rsqrt(deg), 0.0)
    norm = dinv[s] * dinv[d]
    h = x @ W
    msg = h[s] * norm[:, None]
    out = jnp.zeros((num_nodes, W.shape[1]), dtype=x.dtype).at[d].add(msg)
    return out + b


def reference(x, edge_index, W1, b1, W2, b2):
    # Dropout is identity in eval mode.
    src = edge_index[0]
    dst = edge_index[1]
    h = x
    h = gcn_conv(h, src, dst, W1, b1, N)
    h = jax.nn.relu(h)
    h = gcn_conv(h, src, dst, W2, b2, N)
    h = jax.nn.relu(h)
    return h

if __name__ == "__main__":
    import jax
    _d = setup_inputs()
    print(jax.jit(kernel)(*tuple(_d.values())))

</pallas_src>

<mosaic_0001>
#map = affine_map<(d0, d1) -> (0)>
#map1 = affine_map<(d0, d1) -> (0, 0)>
module attributes {stable_mosaic.version = 14 : i64} {
  func.func @deg_kernel(%arg0: i32, %arg1: i32, %arg2: memref<323584xi32, #tpu.memory_space<hbm>>, %arg3: memref<128x128xf32, #tpu.memory_space<hbm>>, %arg4: memref<10240x128xf32, #tpu.memory_space<hbm>>, %arg5: memref<20480x128xf32, #tpu.memory_space<hbm>>, %arg6: memref<128xi32, #tpu.memory_space<vmem>>, %arg7: memref<128x128xf32, #tpu.memory_space<vmem>>, %arg8: memref<10240x128xf32, #tpu.memory_space<vmem_shared>>) attributes {dimension_semantics = [#tpu.dimension_semantics<core_parallel>, #tpu.dimension_semantics<subcore_parallel>], iteration_bounds = array<i64: 2, 16>, scalar_prefetch = 0 : i64, scratch_operands = 3 : i64, tpu.core_type = #tpu.core_type<sc_vector_subcore>, window_params = [{transform_indices = #map}, {transform_indices = #map1}, {transform_indices = #map1}, {transform_indices = #map1}]} {
    %mul3A = arith.constant 640 : i32
    %mul3A_0 = arith.muli %arg1, %mul3A : i32
    "tpu.region"() ({
      %run_scoped3A = tpu.sem_alloc : memref<!tpu.dma_semaphore, #tpu.memory_space<semaphore_mem>>
      %dma_start3A = arith.constant 0 : i32
      %dma_start3A_14 = tpu.memref_slice %arg8[%mul3A_0, %dma_start3A] : memref<10240x128xf32, #tpu.memory_space<vmem_shared>> -> memref<640x128xf32, #tpu.memory_space<vmem_shared>>
      %dma_start3A_15 = arith.constant 0 : i32
      %dma_start3A_16 = tpu.memref_slice %arg4[%mul3A_0, %dma_start3A_15] : memref<10240x128xf32, #tpu.memory_space<hbm>> -> memref<640x128xf32, #tpu.memory_space<hbm>>
      tpu.enqueue_dma source(%dma_start3A_16 : memref<640x128xf32, #tpu.memory_space<hbm>>) target(%dma_start3A_14 : memref<640x128xf32, #tpu.memory_space<vmem_shared>>) target_semaphore(%run_scoped3A : memref<!tpu.dma_semaphore, #tpu.memory_space<semaphore_mem>>)
      %dma_wait3A = arith.constant 0 : i32
      %dma_wait3A_17 = tpu.memref_slice %arg8[%mul3A_0, %dma_wait3A] : memref<10240x128xf32, #tpu.memory_space<vmem_shared>> -> memref<640x128xf32, #tpu.memory_space<vmem_shared>>
      %dma_wait3A_18 = arith.constant 0 : i32
      %dma_wait3A_19 = tpu.memref_slice %arg4[%mul3A_0, %dma_wait3A_18] : memref<10240x128xf32, #tpu.memory_space<hbm>> -> memref<640x128xf32, #tpu.memory_space<hbm>>
      tpu.wait_dma2 semaphore(%run_scoped3A : memref<!tpu.dma_semaphore, #tpu.memory_space<semaphore_mem>>) src(%dma_wait3A_19 : memref<640x128xf32, #tpu.memory_space<hbm>>) dst(%dma_wait3A_17 : memref<640x128xf32, #tpu.memory_space<vmem_shared>>)
      tpu.yield
    }) : () -> ()
    "tpu.region"() ({
      %run_scoped3A = tpu.sem_alloc : memref<!tpu.dma_semaphore, #tpu.memory_space<semaphore_mem>>
      tpu.enqueue_dma source(%arg3 : memref<128x128xf32, #tpu.memory_space<hbm>>) target(%arg7 : memref<128x128xf32, #tpu.memory_space<vmem>>) target_semaphore(%run_scoped3A : memref<!tpu.dma_semaphore, #tpu.memory_space<semaphore_mem>>)
      tpu.wait_dma2 semaphore(%run_scoped3A : memref<!tpu.dma_semaphore, #tpu.memory_space<semaphore_mem>>) src(%arg3 : memref<128x128xf32, #tpu.memory_space<hbm>>) dst(%arg7 : memref<128x128xf32, #tpu.memory_space<vmem>>)
      tpu.yield
    }) : () -> ()
    %barrier3A = arith.constant 0 : index
    tpu.barrier barrier_id(%barrier3A)
    %mul3A_1 = arith.constant 161792 : i32
    %mul3A_2 = arith.muli %arg0, %mul3A_1 : i32
    %mul3A_3 = arith.constant 10112 : i32
    %mul3A_4 = arith.muli %arg1, %mul3A_3 : i32
    %add3A = arith.addi %mul3A_2, %mul3A_4 : i32
    %scan3A = arith.constant 0 : i32
    %scan3A_5 = arith.constant 0 : i32
    %scan3A_6 = arith.constant 79 : i32
    %scan3A_7 = arith.addi %scan3A_5, %scan3A_6 : i32
    %scan3A_8 = arith.constant 1 : i32
    scf.for %scan3A_14 = %scan3A_5 to %scan3A_7 step %scan3A_8  : i32 {
      %mul3A_15 = arith.constant 128 : i32
      %mul3A_16 = arith.muli %scan3A_14, %mul3A_15 : i32
      %add3A_17 = arith.addi %add3A, %mul3A_16 : i32
      "tpu.region"() ({
        %run_scoped3A = tpu.sem_alloc : memref<!tpu.dma_semaphore, #tpu.memory_space<semaphore_mem>>
        %dma_start3A = tpu.memref_slice %arg2[%add3A_17] : memref<323584xi32, #tpu.memory_space<hbm>> -> memref<128xi32, #tpu.memory_space<hbm>>
        %dma_start3A_18 = tpu.memref_slice %arg2[%add3A_17] : memref<323584xi32, #tpu.memory_space<hbm>> -> memref<128xi32, #tpu.memory_space<hbm>>
        tpu.enqueue_dma source(%dma_start3A_18 : memref<128xi32, #tpu.memory_space<hbm>>) target(%arg6 : memref<128xi32, #tpu.memory_space<vmem>>) target_semaphore(%run_scoped3A : memref<!tpu.dma_semaphore, #tpu.memory_space<semaphore_mem>>)
        %dma_wait3A = tpu.memref_slice %arg2[%add3A_17] : memref<323584xi32, #tpu.memory_space<hbm>> -> memref<128xi32, #tpu.memory_space<hbm>>
        %dma_wait3A_19 = tpu.memref_slice %arg2[%add3A_17] : memref<323584xi32, #tpu.memory_space<hbm>> -> memref<128xi32, #tpu.memory_space<hbm>>
        tpu.wait_dma2 semaphore(%run_scoped3A : memref<!tpu.dma_semaphore, #tpu.memory_space<semaphore_mem>>) src(%dma_wait3A_19 : memref<128xi32, #tpu.memory_space<hbm>>) dst(%arg6 : memref<128xi32, #tpu.memory_space<vmem>>)
        tpu.yield
      }) : () -> ()
      "tpu.region"() ({
        %run_scoped3A = tpu.sem_alloc : memref<!tpu.dma_semaphore, #tpu.memory_space<semaphore_mem>>
        %dma_start3A = arith.constant 0 : i32
        %dma_start3A_18 = arith.constant 0 : i32
        %dma_start3A_19 = tpu.memref_slice %arg8[%dma_start3A, %dma_start3A_18] : memref<10240x128xf32, #tpu.memory_space<vmem_shared>> -> memref<10240x128xf32, #tpu.memory_space<vmem_shared>>
        tpu.enqueue_indirect_dma source(%arg7 : memref<128x128xf32, #tpu.memory_space<vmem>>) target(%dma_start3A_19 : memref<10240x128xf32, #tpu.memory_space<vmem_shared>>) offsets(%arg6 : memref<128xi32, #tpu.memory_space<vmem>>) semaphore(%run_scoped3A : memref<!tpu.dma_semaphore, #tpu.memory_space<semaphore_mem>>) {add = true}
        %dma_wait3A = arith.constant 0 : i32
        %dma_wait3A_20 = arith.constant 0 : i32
        %dma_wait3A_21 = tpu.memref_slice %arg8[%dma_wait3A, %dma_wait3A_20] : memref<10240x128xf32, #tpu.memory_space<vmem_shared>> -> memref<10240x128xf32, #tpu.memory_space<vmem_shared>>
        tpu.wait_indirect_dma semaphore(%run_scoped3A : memref<!tpu.dma_semaphore, #tpu.memory_space<semaphore_mem>>) src(%arg7 : memref<128x128xf32, #tpu.memory_space<vmem>>) dst(%dma_wait3A_21 : memref<10240x128xf32, #tpu.memory_space<vmem_shared>>)
        tpu.yield
      }) : () -> ()
    }
    %scan3A_9 = arith.constant 79 : i32
    %barrier3A_10 = arith.constant 0 : index
    tpu.barrier barrier_id(%barrier3A_10)
    %mul3A_11 = arith.constant 10240 : i32
    %mul3A_12 = arith.muli %arg0, %mul3A_11 : i32
    %add3A_13 = arith.addi %mul3A_12, %mul3A_0 : i32
    "tpu.region"() ({
      %run_scoped3A = tpu.sem_alloc : memref<!tpu.dma_semaphore, #tpu.memory_space<semaphore_mem>>
      %dma_start3A = arith.constant 0 : i32
      %dma_start3A_14 = tpu.memref_slice %arg5[%add3A_13, %dma_start3A] : memref<20480x128xf32, #tpu.memory_space<hbm>> -> memref<640x128xf32, #tpu.memory_space<hbm>>
      %dma_start3A_15 = arith.constant 0 : i32
      %dma_start3A_16 = tpu.memref_slice %arg8[%mul3A_0, %dma_start3A_15] : memref<10240x128xf32, #tpu.memory_space<vmem_shared>> -> memref<640x128xf32, #tpu.memory_space<vmem_shared>>
      tpu.enqueue_dma source(%dma_start3A_16 : memref<640x128xf32, #tpu.memory_space<vmem_shared>>) target(%dma_start3A_14 : memref<640x128xf32, #tpu.memory_space<hbm>>) target_semaphore(%run_scoped3A : memref<!tpu.dma_semaphore, #tpu.memory_space<semaphore_mem>>)
      %dma_wait3A = arith.constant 0 : i32
      %dma_wait3A_17 = tpu.memref_slice %arg5[%add3A_13, %dma_wait3A] : memref<20480x128xf32, #tpu.memory_space<hbm>> -> memref<640x128xf32, #tpu.memory_space<hbm>>
      %dma_wait3A_18 = arith.constant 0 : i32
      %dma_wait3A_19 = tpu.memref_slice %arg8[%mul3A_0, %dma_wait3A_18] : memref<10240x128xf32, #tpu.memory_space<vmem_shared>> -> memref<640x128xf32, #tpu.memory_space<vmem_shared>>
      tpu.wait_dma2 semaphore(%run_scoped3A : memref<!tpu.dma_semaphore, #tpu.memory_space<semaphore_mem>>) src(%dma_wait3A_19 : memref<640x128xf32, #tpu.memory_space<vmem_shared>>) dst(%dma_wait3A_17 : memref<640x128xf32, #tpu.memory_space<hbm>>)
      tpu.yield
    }) : () -> ()
    return
  }
}

#map = affine_map<(d0, d1) -> (0)>
#map1 = affine_map<(d0, d1) -> (0, 0)>
module attributes {stable_mosaic.version = 14 : i64} {
  func.func @agg_kernel(%arg0: i32, %arg1: i32, %arg2: memref<323584xi32, #tpu.memory_space<hbm>>, %arg3: memref<323584xi32, #tpu.memory_space<hbm>>, %arg4: memref<10240x128xf32, #tpu.memory_space<hbm>>, %arg5: memref<10240x128xf32, #tpu.memory_space<hbm>>, %arg6: memref<20480x128xf32, #tpu.memory_space<hbm>>, %arg7: memref<128xi32, #tpu.memory_space<vmem>>, %arg8: memref<128xi32, #tpu.memory_space<vmem>>, %arg9: memref<128x128xf32, #tpu.memory_space<vmem>>, %arg10: memref<10240x128xf32, #tpu.memory_space<vmem_shared>>, %arg11: memref<!tpu.dma_semaphore, #tpu.memory_space<semaphore_mem>>) attributes {dimension_semantics = [#tpu.dimension_semantics<core_parallel>, #tpu.dimension_semantics<subcore_parallel>], iteration_bounds = array<i64: 2, 16>, scalar_prefetch = 0 : i64, scratch_operands = 5 : i64, tpu.core_type = #tpu.core_type<sc_vector_subcore>, window_params = [{transform_indices = #map}, {transform_indices = #map}, {transform_indices = #map1}, {transform_indices = #map1}, {transform_indices = #map1}]} {
    %mul3A = arith.constant 640 : i32
    %mul3A_0 = arith.muli %arg1, %mul3A : i32
    "tpu.region"() ({
      %run_scoped3A = tpu.sem_alloc : memref<!tpu.dma_semaphore, #tpu.memory_space<semaphore_mem>>
      %dma_start3A = arith.constant 0 : i32
      %dma_start3A_14 = tpu.memref_slice %arg10[%mul3A_0, %dma_start3A] : memref<10240x128xf32, #tpu.memory_space<vmem_shared>> -> memref<640x128xf32, #tpu.memory_space<vmem_shared>>
      %dma_start3A_15 = arith.constant 0 : i32
      %dma_start3A_16 = tpu.memref_slice %arg5[%mul3A_0, %dma_start3A_15] : memref<10240x128xf32, #tpu.memory_space<hbm>> -> memref<640x128xf32, #tpu.memory_space<hbm>>
      tpu.enqueue_dma source(%dma_start3A_16 : memref<640x128xf32, #tpu.memory_space<hbm>>) target(%dma_start3A_14 : memref<640x128xf32, #tpu.memory_space<vmem_shared>>) target_semaphore(%run_scoped3A : memref<!tpu.dma_semaphore, #tpu.memory_space<semaphore_mem>>)
      %dma_wait3A = arith.constant 0 : i32
      %dma_wait3A_17 = tpu.memref_slice %arg10[%mul3A_0, %dma_wait3A] : memref<10240x128xf32, #tpu.memory_space<vmem_shared>> -> memref<640x128xf32, #tpu.memory_space<vmem_shared>>
      %dma_wait3A_18 = arith.constant 0 : i32
      %dma_wait3A_19 = tpu.memref_slice %arg5[%mul3A_0, %dma_wait3A_18] : memref<10240x128xf32, #tpu.memory_space<hbm>> -> memref<640x128xf32, #tpu.memory_space<hbm>>
      tpu.wait_dma2 semaphore(%run_scoped3A : memref<!tpu.dma_semaphore, #tpu.memory_space<semaphore_mem>>) src(%dma_wait3A_19 : memref<640x128xf32, #tpu.memory_space<hbm>>) dst(%dma_wait3A_17 : memref<640x128xf32, #tpu.memory_space<vmem_shared>>)
      tpu.yield
    }) : () -> ()
    %barrier3A = arith.constant 0 : index
    tpu.barrier barrier_id(%barrier3A)
    %mul3A_1 = arith.constant 161792 : i32
    %mul3A_2 = arith.muli %arg0, %mul3A_1 : i32
    %mul3A_3 = arith.constant 10112 : i32
    %mul3A_4 = arith.muli %arg1, %mul3A_3 : i32
    %add3A = arith.addi %mul3A_2, %mul3A_4 : i32
    %scan3A = arith.constant 0 : i32
    %scan3A_5 = arith.constant 0 : i32
    %scan3A_6 = arith.constant 79 : i32
    %scan3A_7 = arith.addi %scan3A_5, %scan3A_6 : i32
    %scan3A_8 = arith.constant 1 : i32
    scf.for %scan3A_14 = %scan3A_5 to %scan3A_7 step %scan3A_8  : i32 {
      %mul3A_15 = arith.constant 128 : i32
      %mul3A_16 = arith.muli %scan3A_14, %mul3A_15 : i32
      %add3A_17 = arith.addi %add3A, %mul3A_16 : i32
      "tpu.region"() ({
        %run_scoped3A = tpu.sem_alloc : memref<!tpu.dma_semaphore, #tpu.memory_space<semaphore_mem>>
        %dma_start3A_22 = tpu.memref_slice %arg2[%add3A_17] : memref<323584xi32, #tpu.memory_space<hbm>> -> memref<128xi32, #tpu.memory_space<hbm>>
        %dma_start3A_23 = tpu.memref_slice %arg2[%add3A_17] : memref<323584xi32, #tpu.memory_space<hbm>> -> memref<128xi32, #tpu.memory_space<hbm>>
        tpu.enqueue_dma source(%dma_start3A_23 : memref<128xi32, #tpu.memory_space<hbm>>) target(%arg7 : memref<128xi32, #tpu.memory_space<vmem>>) target_semaphore(%run_scoped3A : memref<!tpu.dma_semaphore, #tpu.memory_space<semaphore_mem>>)
        %dma_wait3A_24 = tpu.memref_slice %arg2[%add3A_17] : memref<323584xi32, #tpu.memory_space<hbm>> -> memref<128xi32, #tpu.memory_space<hbm>>
        %dma_wait3A_25 = tpu.memref_slice %arg2[%add3A_17] : memref<323584xi32, #tpu.memory_space<hbm>> -> memref<128xi32, #tpu.memory_space<hbm>>
        tpu.wait_dma2 semaphore(%run_scoped3A : memref<!tpu.dma_semaphore, #tpu.memory_space<semaphore_mem>>) src(%dma_wait3A_25 : memref<128xi32, #tpu.memory_space<hbm>>) dst(%arg7 : memref<128xi32, #tpu.memory_space<vmem>>)
        tpu.yield
      }) : () -> ()
      "tpu.region"() ({
        %run_scoped3A = tpu.sem_alloc : memref<!tpu.dma_semaphore, #tpu.memory_space<semaphore_mem>>
        %dma_start3A_22 = tpu.memref_slice %arg3[%add3A_17] : memref<323584xi32, #tpu.memory_space<hbm>> -> memref<128xi32, #tpu.memory_space<hbm>>
        %dma_start3A_23 = tpu.memref_slice %arg3[%add3A_17] : memref<323584xi32, #tpu.memory_space<hbm>> -> memref<128xi32, #tpu.memory_space<hbm>>
        tpu.enqueue_dma source(%dma_start3A_23 : memref<128xi32, #tpu.memory_space<hbm>>) target(%arg8 : memref<128xi32, #tpu.memory_space<vmem>>) target_semaphore(%run_scoped3A : memref<!tpu.dma_semaphore, #tpu.memory_space<semaphore_mem>>)
        %dma_wait3A_24 = tpu.memref_slice %arg3[%add3A_17] : memref<323584xi32, #tpu.memory_space<hbm>> -> memref<128xi32, #tpu.memory_space<hbm>>
        %dma_wait3A_25 = tpu.memref_slice %arg3[%add3A_17] : memref<323584xi32, #tpu.memory_space<hbm>> -> memref<128xi32, #tpu.memory_space<hbm>>
        tpu.wait_dma2 semaphore(%run_scoped3A : memref<!tpu.dma_semaphore, #tpu.memory_space<semaphore_mem>>) src(%dma_wait3A_25 : memref<128xi32, #tpu.memory_space<hbm>>) dst(%arg8 : memref<128xi32, #tpu.memory_space<vmem>>)
        tpu.yield
      }) : () -> ()
      %dma_start3A = arith.constant 0 : i32
      %dma_start3A_18 = arith.constant 0 : i32
      %dma_start3A_19 = tpu.memref_slice %arg4[%dma_start3A, %dma_start3A_18] : memref<10240x128xf32, #tpu.memory_space<hbm>> -> memref<10240x128xf32, #tpu.memory_space<hbm>>
      tpu.enqueue_indirect_dma source(%dma_start3A_19 : memref<10240x128xf32, #tpu.memory_space<hbm>>) target(%arg9 : memref<128x128xf32, #tpu.memory_space<vmem>>) offsets(%arg7 : memref<128xi32, #tpu.memory_space<vmem>>) semaphore(%arg11 : memref<!tpu.dma_semaphore, #tpu.memory_space<semaphore_mem>>)
      %dma_wait3A = arith.constant 0 : i32
      %dma_wait3A_20 = arith.constant 0 : i32
      %dma_wait3A_21 = tpu.memref_slice %arg4[%dma_wait3A, %dma_wait3A_20] : memref<10240x128xf32, #tpu.memory_space<hbm>> -> memref<10240x128xf32, #tpu.memory_space<hbm>>
      tpu.wait_indirect_dma semaphore(%arg11 : memref<!tpu.dma_semaphore, #tpu.memory_space<semaphore_mem>>) src(%dma_wait3A_21 : memref<10240x128xf32, #tpu.memory_space<hbm>>) dst(%arg9 : memref<128x128xf32, #tpu.memory_space<vmem>>)
      "tpu.region"() ({
        %run_scoped3A = tpu.sem_alloc : memref<!tpu.dma_semaphore, #tpu.memory_space<semaphore_mem>>
        %dma_start3A_22 = arith.constant 0 : i32
        %dma_start3A_23 = arith.constant 0 : i32
        %dma_start3A_24 = tpu.memref_slice %arg10[%dma_start3A_22, %dma_start3A_23] : memref<10240x128xf32, #tpu.memory_space<vmem_shared>> -> memref<10240x128xf32, #tpu.memory_space<vmem_shared>>
        tpu.enqueue_indirect_dma source(%arg9 : memref<128x128xf32, #tpu.memory_space<vmem>>) target(%dma_start3A_24 : memref<10240x128xf32, #tpu.memory_space<vmem_shared>>) offsets(%arg8 : memref<128xi32, #tpu.memory_space<vmem>>) semaphore(%run_scoped3A : memref<!tpu.dma_semaphore, #tpu.memory_space<semaphore_mem>>) {add = true}
        %dma_wait3A_25 = arith.constant 0 : i32
        %dma_wait3A_26 = arith.constant 0 : i32
        %dma_wait3A_27 = tpu.memref_slice %arg10[%dma_wait3A_25, %dma_wait3A_26] : memref<10240x128xf32, #tpu.memory_space<vmem_shared>> -> memref<10240x128xf32, #tpu.memory_space<vmem_shared>>
        tpu.wait_indirect_dma semaphore(%run_scoped3A : memref<!tpu.dma_semaphore, #tpu.memory_space<semaphore_mem>>) src(%arg9 : memref<128x128xf32, #tpu.memory_space<vmem>>) dst(%dma_wait3A_27 : memref<10240x128xf32, #tpu.memory_space<vmem_shared>>)
        tpu.yield
      }) : () -> ()
    }
    %scan3A_9 = arith.constant 79 : i32
    %barrier3A_10 = arith.constant 0 : index
    tpu.barrier barrier_id(%barrier3A_10)
    %mul3A_11 = arith.constant 10240 : i32
    %mul3A_12 = arith.muli %arg0, %mul3A_11 : i32
    %add3A_13 = arith.addi %mul3A_12, %mul3A_0 : i32
    "tpu.region"() ({
      %run_scoped3A = tpu.sem_alloc : memref<!tpu.dma_semaphore, #tpu.memory_space<semaphore_mem>>
      %dma_start3A = arith.constant 0 : i32
      %dma_start3A_14 = tpu.memref_slice %arg6[%add3A_13, %dma_start3A] : memref<20480x128xf32, #tpu.memory_space<hbm>> -> memref<640x128xf32, #tpu.memory_space<hbm>>
      %dma_start3A_15 = arith.constant 0 : i32
      %dma_start3A_16 = tpu.memref_slice %arg10[%mul3A_0, %dma_start3A_15] : memref<10240x128xf32, #tpu.memory_space<vmem_shared>> -> memref<640x128xf32, #tpu.memory_space<vmem_shared>>
      tpu.enqueue_dma source(%dma_start3A_16 : memref<640x128xf32, #tpu.memory_space<vmem_shared>>) target(%dma_start3A_14 : memref<640x128xf32, #tpu.memory_space<hbm>>) target_semaphore(%run_scoped3A : memref<!tpu.dma_semaphore, #tpu.memory_space<semaphore_mem>>)
      %dma_wait3A = arith.constant 0 : i32
      %dma_wait3A_17 = tpu.memref_slice %arg6[%add3A_13, %dma_wait3A] : memref<20480x128xf32, #tpu.memory_space<hbm>> -> memref<640x128xf32, #tpu.memory_space<hbm>>
      %dma_wait3A_18 = arith.constant 0 : i32
      %dma_wait3A_19 = tpu.memref_slice %arg10[%mul3A_0, %dma_wait3A_18] : memref<10240x128xf32, #tpu.memory_space<vmem_shared>> -> memref<640x128xf32, #tpu.memory_space<vmem_shared>>
      tpu.wait_dma2 semaphore(%run_scoped3A : memref<!tpu.dma_semaphore, #tpu.memory_space<semaphore_mem>>) src(%dma_wait3A_19 : memref<640x128xf32, #tpu.memory_space<vmem_shared>>) dst(%dma_wait3A_17 : memref<640x128xf32, #tpu.memory_space<hbm>>)
      tpu.yield
    }) : () -> ()
    return
  }
}

#map = affine_map<(d0, d1) -> (0)>
#map1 = affine_map<(d0, d1) -> (0, 0)>
module attributes {stable_mosaic.version = 14 : i64} {
  func.func @agg_kernel(%arg0: i32, %arg1: i32, %arg2: memref<323584xi32, #tpu.memory_space<hbm>>, %arg3: memref<323584xi32, #tpu.memory_space<hbm>>, %arg4: memref<10240x128xf32, #tpu.memory_space<hbm>>, %arg5: memref<10240x128xf32, #tpu.memory_space<hbm>>, %arg6: memref<20480x128xf32, #tpu.memory_space<hbm>>, %arg7: memref<128xi32, #tpu.memory_space<vmem>>, %arg8: memref<128xi32, #tpu.memory_space<vmem>>, %arg9: memref<128x128xf32, #tpu.memory_space<vmem>>, %arg10: memref<10240x128xf32, #tpu.memory_space<vmem_shared>>, %arg11: memref<!tpu.dma_semaphore, #tpu.memory_space<semaphore_mem>>) attributes {dimension_semantics = [#tpu.dimension_semantics<core_parallel>, #tpu.dimension_semantics<subcore_parallel>], iteration_bounds = array<i64: 2, 16>, scalar_prefetch = 0 : i64, scratch_operands = 5 : i64, tpu.core_type = #tpu.core_type<sc_vector_subcore>, window_params = [{transform_indices = #map}, {transform_indices = #map}, {transform_indices = #map1}, {transform_indices = #map1}, {transform_indices = #map1}]} {
    %mul3A = arith.constant 640 : i32
    %mul3A_0 = arith.muli %arg1, %mul3A : i32
    "tpu.region"() ({
      %run_scoped3A = tpu.sem_alloc : memref<!tpu.dma_semaphore, #tpu.memory_space<semaphore_mem>>
      %dma_start3A = arith.constant 0 : i32
      %dma_start3A_14 = tpu.memref_slice %arg10[%mul3A_0, %dma_start3A] : memref<10240x128xf32, #tpu.memory_space<vmem_shared>> -> memref<640x128xf32, #tpu.memory_space<vmem_shared>>
      %dma_start3A_15 = arith.constant 0 : i32
      %dma_start3A_16 = tpu.memref_slice %arg5[%mul3A_0, %dma_start3A_15] : memref<10240x128xf32, #tpu.memory_space<hbm>> -> memref<640x128xf32, #tpu.memory_space<hbm>>
      tpu.enqueue_dma source(%dma_start3A_16 : memref<640x128xf32, #tpu.memory_space<hbm>>) target(%dma_start3A_14 : memref<640x128xf32, #tpu.memory_space<vmem_shared>>) target_semaphore(%run_scoped3A : memref<!tpu.dma_semaphore, #tpu.memory_space<semaphore_mem>>)
      %dma_wait3A = arith.constant 0 : i32
      %dma_wait3A_17 = tpu.memref_slice %arg10[%mul3A_0, %dma_wait3A] : memref<10240x128xf32, #tpu.memory_space<vmem_shared>> -> memref<640x128xf32, #tpu.memory_space<vmem_shared>>
      %dma_wait3A_18 = arith.constant 0 : i32
      %dma_wait3A_19 = tpu.memref_slice %arg5[%mul3A_0, %dma_wait3A_18] : memref<10240x128xf32, #tpu.memory_space<hbm>> -> memref<640x128xf32, #tpu.memory_space<hbm>>
      tpu.wait_dma2 semaphore(%run_scoped3A : memref<!tpu.dma_semaphore, #tpu.memory_space<semaphore_mem>>) src(%dma_wait3A_19 : memref<640x128xf32, #tpu.memory_space<hbm>>) dst(%dma_wait3A_17 : memref<640x128xf32, #tpu.memory_space<vmem_shared>>)
      tpu.yield
    }) : () -> ()
    %barrier3A = arith.constant 0 : index
    tpu.barrier barrier_id(%barrier3A)
    %mul3A_1 = arith.constant 161792 : i32
    %mul3A_2 = arith.muli %arg0, %mul3A_1 : i32
    %mul3A_3 = arith.constant 10112 : i32
    %mul3A_4 = arith.muli %arg1, %mul3A_3 : i32
    %add3A = arith.addi %mul3A_2, %mul3A_4 : i32
    %scan3A = arith.constant 0 : i32
    %scan3A_5 = arith.constant 0 : i32
    %scan3A_6 = arith.constant 79 : i32
    %scan3A_7 = arith.addi %scan3A_5, %scan3A_6 : i32
    %scan3A_8 = arith.constant 1 : i32
    scf.for %scan3A_14 = %scan3A_5 to %scan3A_7 step %scan3A_8  : i32 {
      %mul3A_15 = arith.constant 128 : i32
      %mul3A_16 = arith.muli %scan3A_14, %mul3A_15 : i32
      %add3A_17 = arith.addi %add3A, %mul3A_16 : i32
      "tpu.region"() ({
        %run_scoped3A = tpu.sem_alloc : memref<!tpu.dma_semaphore, #tpu.memory_space<semaphore_mem>>
        %dma_start3A_22 = tpu.memref_slice %arg2[%add3A_17] : memref<323584xi32, #tpu.memory_space<hbm>> -> memref<128xi32, #tpu.memory_space<hbm>>
        %dma_start3A_23 = tpu.memref_slice %arg2[%add3A_17] : memref<323584xi32, #tpu.memory_space<hbm>> -> memref<128xi32, #tpu.memory_space<hbm>>
        tpu.enqueue_dma source(%dma_start3A_23 : memref<128xi32, #tpu.memory_space<hbm>>) target(%arg7 : memref<128xi32, #tpu.memory_space<vmem>>) target_semaphore(%run_scoped3A : memref<!tpu.dma_semaphore, #tpu.memory_space<semaphore_mem>>)
        %dma_wait3A_24 = tpu.memref_slice %arg2[%add3A_17] : memref<323584xi32, #tpu.memory_space<hbm>> -> memref<128xi32, #tpu.memory_space<hbm>>
        %dma_wait3A_25 = tpu.memref_slice %arg2[%add3A_17] : memref<323584xi32, #tpu.memory_space<hbm>> -> memref<128xi32, #tpu.memory_space<hbm>>
        tpu.wait_dma2 semaphore(%run_scoped3A : memref<!tpu.dma_semaphore, #tpu.memory_space<semaphore_mem>>) src(%dma_wait3A_25 : memref<128xi32, #tpu.memory_space<hbm>>) dst(%arg7 : memref<128xi32, #tpu.memory_space<vmem>>)
        tpu.yield
      }) : () -> ()
      "tpu.region"() ({
        %run_scoped3A = tpu.sem_alloc : memref<!tpu.dma_semaphore, #tpu.memory_space<semaphore_mem>>
        %dma_start3A_22 = tpu.memref_slice %arg3[%add3A_17] : memref<323584xi32, #tpu.memory_space<hbm>> -> memref<128xi32, #tpu.memory_space<hbm>>
        %dma_start3A_23 = tpu.memref_slice %arg3[%add3A_17] : memref<323584xi32, #tpu.memory_space<hbm>> -> memref<128xi32, #tpu.memory_space<hbm>>
        tpu.enqueue_dma source(%dma_start3A_23 : memref<128xi32, #tpu.memory_space<hbm>>) target(%arg8 : memref<128xi32, #tpu.memory_space<vmem>>) target_semaphore(%run_scoped3A : memref<!tpu.dma_semaphore, #tpu.memory_space<semaphore_mem>>)
        %dma_wait3A_24 = tpu.memref_slice %arg3[%add3A_17] : memref<323584xi32, #tpu.memory_space<hbm>> -> memref<128xi32, #tpu.memory_space<hbm>>
        %dma_wait3A_25 = tpu.memref_slice %arg3[%add3A_17] : memref<323584xi32, #tpu.memory_space<hbm>> -> memref<128xi32, #tpu.memory_space<hbm>>
        tpu.wait_dma2 semaphore(%run_scoped3A : memref<!tpu.dma_semaphore, #tpu.memory_space<semaphore_mem>>) src(%dma_wait3A_25 : memref<128xi32, #tpu.memory_space<hbm>>) dst(%arg8 : memref<128xi32, #tpu.memory_space<vmem>>)
        tpu.yield
      }) : () -> ()
      %dma_start3A = arith.constant 0 : i32
      %dma_start3A_18 = arith.constant 0 : i32
      %dma_start3A_19 = tpu.memref_slice %arg4[%dma_start3A, %dma_start3A_18] : memref<10240x128xf32, #tpu.memory_space<hbm>> -> memref<10240x128xf32, #tpu.memory_space<hbm>>
      tpu.enqueue_indirect_dma source(%dma_start3A_19 : memref<10240x128xf32, #tpu.memory_space<hbm>>) target(%arg9 : memref<128x128xf32, #tpu.memory_space<vmem>>) offsets(%arg7 : memref<128xi32, #tpu.memory_space<vmem>>) semaphore(%arg11 : memref<!tpu.dma_semaphore, #tpu.memory_space<semaphore_mem>>)
      %dma_wait3A = arith.constant 0 : i32
      %dma_wait3A_20 = arith.constant 0 : i32
      %dma_wait3A_21 = tpu.memref_slice %arg4[%dma_wait3A, %dma_wait3A_20] : memref<10240x128xf32, #tpu.memory_space<hbm>> -> memref<10240x128xf32, #tpu.memory_space<hbm>>
      tpu.wait_indirect_dma semaphore(%arg11 : memref<!tpu.dma_semaphore, #tpu.memory_space<semaphore_mem>>) src(%dma_wait3A_21 : memref<10240x128xf32, #tpu.memory_space<hbm>>) dst(%arg9 : memref<128x128xf32, #tpu.memory_space<vmem>>)
      "tpu.region"() ({
        %run_scoped3A = tpu.sem_alloc : memref<!tpu.dma_semaphore, #tpu.memory_space<semaphore_mem>>
        %dma_start3A_22 = arith.constant 0 : i32
        %dma_start3A_23 = arith.constant 0 : i32
        %dma_start3A_24 = tpu.memref_slice %arg10[%dma_start3A_22, %dma_start3A_23] : memref<10240x128xf32, #tpu.memory_space<vmem_shared>> -> memref<10240x128xf32, #tpu.memory_space<vmem_shared>>
        tpu.enqueue_indirect_dma source(%arg9 : memref<128x128xf32, #tpu.memory_space<vmem>>) target(%dma_start3A_24 : memref<10240x128xf32, #tpu.memory_space<vmem_shared>>) offsets(%arg8 : memref<128xi32, #tpu.memory_space<vmem>>) semaphore(%run_scoped3A : memref<!tpu.dma_semaphore, #tpu.memory_space<semaphore_mem>>) {add = true}
        %dma_wait3A_25 = arith.constant 0 : i32
        %dma_wait3A_26 = arith.constant 0 : i32
        %dma_wait3A_27 = tpu.memref_slice %arg10[%dma_wait3A_25, %dma_wait3A_26] : memref<10240x128xf32, #tpu.memory_space<vmem_shared>> -> memref<10240x128xf32, #tpu.memory_space<vmem_shared>>
        tpu.wait_indirect_dma semaphore(%run_scoped3A : memref<!tpu.dma_semaphore, #tpu.memory_space<semaphore_mem>>) src(%arg9 : memref<128x128xf32, #tpu.memory_space<vmem>>) dst(%dma_wait3A_27 : memref<10240x128xf32, #tpu.memory_space<vmem_shared>>)
        tpu.yield
      }) : () -> ()
    }
    %scan3A_9 = arith.constant 79 : i32
    %barrier3A_10 = arith.constant 0 : index
    tpu.barrier barrier_id(%barrier3A_10)
    %mul3A_11 = arith.constant 10240 : i32
    %mul3A_12 = arith.muli %arg0, %mul3A_11 : i32
    %add3A_13 = arith.addi %mul3A_12, %mul3A_0 : i32
    "tpu.region"() ({
      %run_scoped3A = tpu.sem_alloc : memref<!tpu.dma_semaphore, #tpu.memory_space<semaphore_mem>>
      %dma_start3A = arith.constant 0 : i32
      %dma_start3A_14 = tpu.memref_slice %arg6[%add3A_13, %dma_start3A] : memref<20480x128xf32, #tpu.memory_space<hbm>> -> memref<640x128xf32, #tpu.memory_space<hbm>>
      %dma_start3A_15 = arith.constant 0 : i32
      %dma_start3A_16 = tpu.memref_slice %arg10[%mul3A_0, %dma_start3A_15] : memref<10240x128xf32, #tpu.memory_space<vmem_shared>> -> memref<640x128xf32, #tpu.memory_space<vmem_shared>>
      tpu.enqueue_dma source(%dma_start3A_16 : memref<640x128xf32, #tpu.memory_space<vmem_shared>>) target(%dma_start3A_14 : memref<640x128xf32, #tpu.memory_space<hbm>>) target_semaphore(%run_scoped3A : memref<!tpu.dma_semaphore, #tpu.memory_space<semaphore_mem>>)
      %dma_wait3A = arith.constant 0 : i32
      %dma_wait3A_17 = tpu.memref_slice %arg6[%add3A_13, %dma_wait3A] : memref<20480x128xf32, #tpu.memory_space<hbm>> -> memref<640x128xf32, #tpu.memory_space<hbm>>
      %dma_wait3A_18 = arith.constant 0 : i32
      %dma_wait3A_19 = tpu.memref_slice %arg10[%mul3A_0, %dma_wait3A_18] : memref<10240x128xf32, #tpu.memory_space<vmem_shared>> -> memref<640x128xf32, #tpu.memory_space<vmem_shared>>
      tpu.wait_dma2 semaphore(%run_scoped3A : memref<!tpu.dma_semaphore, #tpu.memory_space<semaphore_mem>>) src(%dma_wait3A_19 : memref<640x128xf32, #tpu.memory_space<vmem_shared>>) dst(%dma_wait3A_17 : memref<640x128xf32, #tpu.memory_space<hbm>>)
      tpu.yield
    }) : () -> ()
    return
  }
}

module attributes {stable_mosaic.version = 14 : i64} {
  func.func @_tc1_body(%arg0: memref<20480x128xf32, #tpu.memory_space<vmem>>, %arg1: memref<10240x128xf32, #tpu.memory_space<vmem>>, %arg2: memref<128x128xf32, #tpu.memory_space<vmem>>, %arg3: memref<10240x128xf32, #tpu.memory_space<vmem>>, %arg4: memref<10240x1xf32, #tpu.memory_space<vmem>>) attributes {dimension_semantics = [], scalar_prefetch = 0 : i64, scratch_operands = 0 : i64, tpu.core_type = #tpu.core_type<tc>} {
    %get3A = arith.constant 0 : index
    %get3A_0 = arith.constant 0 : index
    %get3A_1 = vector.load %arg0[%get3A, %get3A_0] : memref<20480x128xf32, #tpu.memory_space<vmem>>, vector<10240x1xf32>
    %get3A_2 = arith.constant 10240 : index
    %get3A_3 = arith.constant 0 : index
    %get3A_4 = vector.load %arg0[%get3A_2, %get3A_3] : memref<20480x128xf32, #tpu.memory_space<vmem>>, vector<10240x1xf32>
    %add3A = arith.addf %get3A_1, %get3A_4 : vector<10240x1xf32>
    %add3A_5 = arith.constant 1.000000e+00 : f32
    %add3A_6 = vector.broadcast %add3A_5 : f32 to vector<10240x1xf32>
    %add3A_7 = arith.addf %add3A, %add3A_6 : vector<10240x1xf32>
    %rsqrt3A = math.rsqrt %add3A_7 : vector<10240x1xf32>
    %swap3A = arith.constant 0 : index
    %swap3A_8 = arith.constant 0 : index
    %swap3A_9 = vector.load %arg4[%swap3A, %swap3A_8] : memref<10240x1xf32, #tpu.memory_space<vmem>>, vector<10240x1xf32>
    tpu.vector_store %arg4[%swap3A, %swap3A_8], %rsqrt3A {strides = array<i32>} : memref<10240x1xf32, #tpu.memory_space<vmem>>, vector<10240x1xf32>,
    %get3A_10 = arith.constant 0 : index
    %get3A_11 = arith.constant 0 : index
    %get3A_12 = vector.load %arg1[%get3A_10, %get3A_11] : memref<10240x128xf32, #tpu.memory_space<vmem>>, vector<10240x128xf32>
    %get3A_13 = arith.constant 0 : index
    %get3A_14 = arith.constant 0 : index
    %get3A_15 = vector.load %arg2[%get3A_13, %get3A_14] : memref<128x128xf32, #tpu.memory_space<vmem>>, vector<128x128xf32>
    %dot_general3A = arith.constant dense<0.000000e+00> : vector<10240x128xf32>
    %dot_general3A_16 = tpu.matmul %get3A_12, %get3A_15, %dot_general3A {dimension_numbers = #tpu.dot_dimension_numbers<[1], [0], [0], [1], [0, 0, 1, 1], [], []>, transpose_lhs_hint = false} : vector<10240x128xf32>, vector<128x128xf32>, vector<10240x128xf32> -> vector<10240x128xf32>
    %mul3A = vector.broadcast %rsqrt3A : vector<10240x1xf32> to vector<10240x128xf32>
    %mul3A_17 = arith.mulf %dot_general3A_16, %mul3A : vector<10240x128xf32>
    %swap3A_18 = arith.constant 0 : index
    %swap3A_19 = arith.constant 0 : index
    %swap3A_20 = vector.load %arg3[%swap3A_18, %swap3A_19] : memref<10240x128xf32, #tpu.memory_space<vmem>>, vector<10240x128xf32>
    tpu.vector_store %arg3[%swap3A_18, %swap3A_19], %mul3A_17 {strides = array<i32>} : memref<10240x128xf32, #tpu.memory_space<vmem>>, vector<10240x128xf32>,
    return
  }
}

module attributes {stable_mosaic.version = 14 : i64} {
  func.func @_tc_mid_body(%arg0: memref<20480x128xf32, #tpu.memory_space<vmem>>, %arg1: memref<10240x128xf32, #tpu.memory_space<vmem>>, %arg2: memref<10240x1xf32, #tpu.memory_space<vmem>>, %arg3: memref<1x128xf32, #tpu.memory_space<vmem>>, %arg4: memref<128x128xf32, #tpu.memory_space<vmem>>, %arg5: memref<10240x128xf32, #tpu.memory_space<vmem>>) attributes {dimension_semantics = [], scalar_prefetch = 0 : i64, scratch_operands = 0 : i64, tpu.core_type = #tpu.core_type<tc>} {
    %get3A = arith.constant 0 : index
    %get3A_0 = arith.constant 0 : index
    %get3A_1 = vector.load %arg2[%get3A, %get3A_0] : memref<10240x1xf32, #tpu.memory_space<vmem>>, vector<10240x1xf32>
    %get3A_2 = arith.constant 0 : index
    %get3A_3 = arith.constant 0 : index
    %get3A_4 = vector.load %arg0[%get3A_2, %get3A_3] : memref<20480x128xf32, #tpu.memory_space<vmem>>, vector<10240x128xf32>
    %get3A_5 = arith.constant 10240 : index
    %get3A_6 = arith.constant 0 : index
    %get3A_7 = vector.load %arg0[%get3A_5, %get3A_6] : memref<20480x128xf32, #tpu.memory_space<vmem>>, vector<10240x128xf32>
    %add3A = arith.addf %get3A_4, %get3A_7 : vector<10240x128xf32>
    %get3A_8 = arith.constant 0 : index
    %get3A_9 = arith.constant 0 : index
    %get3A_10 = vector.load %arg1[%get3A_8, %get3A_9] : memref<10240x128xf32, #tpu.memory_space<vmem>>, vector<10240x128xf32>
    %add3A_11 = arith.addf %add3A, %get3A_10 : vector<10240x128xf32>
    %mul3A = vector.broadcast %get3A_1 : vector<10240x1xf32> to vector<10240x128xf32>
    %mul3A_12 = arith.mulf %add3A_11, %mul3A : vector<10240x128xf32>
    %get3A_13 = arith.constant 0 : index
    %get3A_14 = arith.constant 0 : index
    %get3A_15 = vector.load %arg3[%get3A_13, %get3A_14] : memref<1x128xf32, #tpu.memory_space<vmem>>, vector<1x128xf32>
    %add3A_16 = vector.broadcast %get3A_15 : vector<1x128xf32> to vector<10240x128xf32>
    %add3A_17 = arith.addf %mul3A_12, %add3A_16 : vector<10240x128xf32>
    %max3A = arith.constant 0.000000e+00 : f32
    %max3A_18 = vector.broadcast %max3A : f32 to vector<10240x128xf32>
    %max3A_19 = arith.maximumf %add3A_17, %max3A_18 : vector<10240x128xf32>
    %get3A_20 = arith.constant 0 : index
    %get3A_21 = arith.constant 0 : index
    %get3A_22 = vector.load %arg4[%get3A_20, %get3A_21] : memref<128x128xf32, #tpu.memory_space<vmem>>, vector<128x128xf32>
    %dot_general3A = arith.constant dense<0.000000e+00> : vector<10240x128xf32>
    %dot_general3A_23 = tpu.matmul %max3A_19, %get3A_22, %dot_general3A {dimension_numbers = #tpu.dot_dimension_numbers<[1], [0], [0], [1], [0, 0, 1, 1], [], []>, transpose_lhs_hint = false} : vector<10240x128xf32>, vector<128x128xf32>, vector<10240x128xf32> -> vector<10240x128xf32>
    %mul3A_24 = vector.broadcast %get3A_1 : vector<10240x1xf32> to vector<10240x128xf32>
    %mul3A_25 = arith.mulf %dot_general3A_23, %mul3A_24 : vector<10240x128xf32>
    %swap3A = arith.constant 0 : index
    %swap3A_26 = arith.constant 0 : index
    %swap3A_27 = vector.load %arg5[%swap3A, %swap3A_26] : memref<10240x128xf32, #tpu.memory_space<vmem>>, vector<10240x128xf32>
    tpu.vector_store %arg5[%swap3A, %swap3A_26], %mul3A_25 {strides = array<i32>} : memref<10240x128xf32, #tpu.memory_space<vmem>>, vector<10240x128xf32>,
    return
  }
}

module attributes {stable_mosaic.version = 14 : i64} {
  func.func @_tc_last_body(%arg0: memref<20480x128xf32, #tpu.memory_space<vmem>>, %arg1: memref<10240x128xf32, #tpu.memory_space<vmem>>, %arg2: memref<10240x1xf32, #tpu.memory_space<vmem>>, %arg3: memref<1x128xf32, #tpu.memory_space<vmem>>, %arg4: memref<10240x128xf32, #tpu.memory_space<vmem>>) attributes {dimension_semantics = [], scalar_prefetch = 0 : i64, scratch_operands = 0 : i64, tpu.core_type = #tpu.core_type<tc>} {
    %get3A = arith.constant 0 : index
    %get3A_0 = arith.constant 0 : index
    %get3A_1 = vector.load %arg0[%get3A, %get3A_0] : memref<20480x128xf32, #tpu.memory_space<vmem>>, vector<10240x128xf32>
    %get3A_2 = arith.constant 10240 : index
    %get3A_3 = arith.constant 0 : index
    %get3A_4 = vector.load %arg0[%get3A_2, %get3A_3] : memref<20480x128xf32, #tpu.memory_space<vmem>>, vector<10240x128xf32>
    %add3A = arith.addf %get3A_1, %get3A_4 : vector<10240x128xf32>
    %get3A_5 = arith.constant 0 : index
    %get3A_6 = arith.constant 0 : index
    %get3A_7 = vector.load %arg1[%get3A_5, %get3A_6] : memref<10240x128xf32, #tpu.memory_space<vmem>>, vector<10240x128xf32>
    %add3A_8 = arith.addf %add3A, %get3A_7 : vector<10240x128xf32>
    %get3A_9 = arith.constant 0 : index
    %get3A_10 = arith.constant 0 : index
    %get3A_11 = vector.load %arg2[%get3A_9, %get3A_10] : memref<10240x1xf32, #tpu.memory_space<vmem>>, vector<10240x1xf32>
    %mul3A = vector.broadcast %get3A_11 : vector<10240x1xf32> to vector<10240x128xf32>
    %mul3A_12 = arith.mulf %add3A_8, %mul3A : vector<10240x128xf32>
    %get3A_13 = arith.constant 0 : index
    %get3A_14 = arith.constant 0 : index
    %get3A_15 = vector.load %arg3[%get3A_13, %get3A_14] : memref<1x128xf32, #tpu.memory_space<vmem>>, vector<1x128xf32>
    %add3A_16 = vector.broadcast %get3A_15 : vector<1x128xf32> to vector<10240x128xf32>
    %add3A_17 = arith.addf %mul3A_12, %add3A_16 : vector<10240x128xf32>
    %max3A = arith.constant 0.000000e+00 : f32
    %max3A_18 = vector.broadcast %max3A : f32 to vector<10240x128xf32>
    %max3A_19 = arith.maximumf %add3A_17, %max3A_18 : vector<10240x128xf32>
    %swap3A = arith.constant 0 : index
    %swap3A_20 = arith.constant 0 : index
    %swap3A_21 = vector.load %arg4[%swap3A, %swap3A_20] : memref<10240x128xf32, #tpu.memory_space<vmem>>, vector<10240x128xf32>
    tpu.vector_store %arg4[%swap3A, %swap3A_20], %max3A_19 {strides = array<i32>} : memref<10240x128xf32, #tpu.memory_space<vmem>>, vector<10240x128xf32>,
    return
  }
}

</mosaic_0001>

<sc_bundles>
// kernel: kernel.11.cloned.1.call-start
scs
__scs_entry_jumppad:
0x0: {  	(pc) =	sbr.rel $0x88, $3  }
0x1: {  	(tag) =	ssettag $0x0;
	lr =	simm.s32 $0x1  }
0x2: {  	[smem:$0x3F9B] =	sst lr;
	_ =	strace $0xD0000000  }
0x3: {  	_ = 	snop  }
0x4: {  	_ = 	snop  }
0x5: {  	_ = 	snop  }
0x6: {  	_ = 	snop  }
0x7: {  	_ = 	snop  }
__scs_overlays_trampoline_lowered:
0x8: {  	[smem:$0x3FAA] =	sst s0  }
0x9: {  	[smem:$0x3FAB] =	sst s1  }
0xa: {  	[smem:$0x3FAC] =	sst s2  }
0xb: {  	[smem:$0x3FAD] =	sst s3  }
0xc: {  	[smem:$0x3FAE] =	sst s4  }
0xd: {  	[smem:$0x3FAF] =	sst s5  }
0xe: {  	[smem:$0x3FB0] =	sst s6  }
0xf: {  	[smem:$0x3FB1] =	sst s7  }
0x10: {  	[smem:$0x3FB2] =	sst s8  }
0x11: {  	[smem:$0x3FB3] =	sst s9;
	s0 =	simm.s32 @!p0 $0x0  }
0x12: {  	s1 =	sld [smem:$0x3F99];
	s0 =	simm.s32 @p0 $0x1  }
0x13: {  	[smem:$0x3FB4] =	sst s0;
	s0 =	simm.s32 @!p1 $0x0  }
0x14: {  	s2 =	sld [smem:$0x3F98];
	s0 =	simm.s32 @p1 $0x1  }
0x15: {  	[smem:$0x3FB5] =	sst s0;
	s0 =	simm.s32 @!p2 $0x0  }
0x16: {  	s3 =	sld [smem:$0x3FDB];
	s0 =	simm.s32 @p2 $0x1  }
0x17: {  	s4 =	simm.s32 $0x1BF5;
	[smem:$0x3FB7] =	sst s0  }
0x18: {  	s0 =	sld [smem:$0x3F9A];
	_ =	swait.ge [sflag:s4], $0x0  }
0x19: {  	s7 =	sld [smem:$0x3F9B]  }
0x1a: {  	s8 =	sadd.s32 $0xFFFFE003, lr  }
0x1b: {  	s9 =	sadd.s32 $0xFFFFFEF7, lr;
	s5 =	simm.s32 $0xFFFFFFFF;
	p2 =	slt.u32 s8, $0xFFFFF086  }
0x1c: {  	p1 =	slt.u32 s9, $0xF7A;
	s5 =	simm.s32 @!p2 $0x0  }
0x1d: {  	s5 =	simm.s32 @p1 $0x1;
	p0 =	seq.s32 s7, s2  }
0x1e: {  	s7 =	smul.u32 @!p0 $0xF7A, s2;
	p2 =	seq.s32 @!p0 s5, $0x0  }
0x1f: {  	s9 =	smul.u32 $0xF7A, s1;
	s8 =	simm.s32 @!p0 $0x1BF5;
	p2 =	por !p2, p0  }
0x20: {  	[sflag:s8] =	ssyncset.s32 @!p0 $0xFFFFF086;
	s6 =	sadd.s32 @!p0 s3, s7;
	s7 =	simm.s32 @!p0 $0x108  }
0x21: {  	s3 =	sadd.s32 s3, s9;
	s6 =	sadd.s32 @!p0 $0x88, s6;
	s7 =	simm.s32 @p2 $0x1082  }
0x22: {  	[simem:s7], [sflag:s8] =	dma.local @!p0 [hbm:s6], $0xF7A  }
0x23: {  	s9 =	sor.u32 $0xD0000000, s2;
	s6 =	simm.s32 $0x108;
	_ =	swait.ge @!p0 [sflag:s8], $0x0  }
0x24: {  	s3 =	sadd.s32 $0x88, s3;
	s6 =	simm.s32 @!p1 $0x1082;
	[sflag:s4] =	ssyncset.s32 $0xFFFFF086  }
0x25: {  	[simem:s6], [sflag:s4] =	dma.local [hbm:s3], $0xF7A  }
0x26: {  	[smem:$0x3F9B] =	sst s1;
	(tag) =	ssettag s2;
	_ =	strace s9  }
0x27: {  	s1 =	sld [smem:$0x3FAB]  }
0x28: {  	s2 =	sld [smem:$0x3FAC]  }
0x29: {  	s4 =	sld [smem:$0x3FAE]  }
0x2a: {  	p0 =	seq.s32 s5, $0x0;
	s5 =	sld [smem:$0x3FAF]  }
0x2b: {  	s6 =	sld [smem:$0x3FB0]  }
0x2c: {  	s7 =	sld [smem:$0x3FB1]  }
0x2d: {  	s3 =	simm.s32 $0x108;
	s8 =	sld [smem:$0x3FB2]  }
0x2e: {  	s3 =	simm.s32 @!p0 $0x1082;
	s9 =	sld [smem:$0x3FB3]  }
0x2f: {  	lr =	sadd.s32 s0, s3;
	s0 =	sld [smem:$0x3FAA]  }
0x30: {  	s3 =	sld [smem:$0x3FAD]  }
0x31: {  	[smem:$0x3FB6] =	sst s10  }
0x32: {  	s10 =	sld [smem:$0x3FB4];
	_ =	sdelay $0x3  }
0x33: {  	p0 =	seq.s32 s10, $0x1;
	s10 =	sld [smem:$0x3FB6];
	_ =	sdelay $0x3  }
0x34: {  	[smem:$0x3FB6] =	sst s10  }
0x35: {  	s10 =	sld [smem:$0x3FB5];
	_ =	sdelay $0x3  }
0x36: {  	p1 =	seq.s32 s10, $0x1;
	s10 =	sld [smem:$0x3FB6];
	_ =	sdelay $0x3  }
0x37: {  	[smem:$0x3FB6] =	sst s10  }
0x38: {  	s10 =	sld [smem:$0x3FB7]  }
0x39: {  	_ = 	snop;
	(pc) =	sbr.ind lr, $3  }
0x3a: {  	_ = 	snop  }
0x3b: {  	_ = 	snop  }
0x3c: {  	p2 =	seq.s32 s10, $0x1;
	s10 =	sld [smem:$0x3FB6]  }
0x3d: {  	_ =	shalt  }
0x3e: {  	_ =	shalt  }
0x3f: {  	_ =	shalt  }
0x40: {  	_ =	shalt  }
0x41: {  	_ =	shalt  }
0x42: {  	_ =	shalt  }
0x43: {  	_ =	shalt  }
0x44: {  	_ =	shalt  }
0x45: {  	_ =	shalt  }
0x46: {  	_ =	shalt  }
0x47: {  	_ =	shalt  }
0x48: {  	_ =	shalt  }
0x49: {  	_ =	shalt  }
0x4a: {  	_ =	shalt  }
0x4b: {  	_ =	shalt  }
0x4c: {  	_ =	shalt  }
0x4d: {  	_ =	shalt  }
0x4e: {  	_ =	shalt  }
0x4f: {  	_ =	shalt  }
0x50: {  	_ =	shalt  }
0x51: {  	_ =	shalt  }
0x52: {  	_ =	shalt  }
0x53: {  	_ =	shalt  }
0x54: {  	_ =	shalt  }
0x55: {  	_ =	shalt  }
0x56: {  	_ =	shalt  }
0x57: {  	_ =	shalt  }
0x58: {  	_ =	shalt  }
0x59: {  	_ =	shalt  }
0x5a: {  	_ =	shalt  }
0x5b: {  	_ =	shalt  }
0x5c: {  	_ =	shalt  }
0x5d: {  	_ =	shalt  }
0x5e: {  	_ =	shalt  }
0x5f: {  	_ =	shalt  }
0x60: {  	_ =	shalt  }
0x61: {  	_ =	shalt  }
0x62: {  	_ =	shalt  }
0x63: {  	_ =	shalt  }
0x64: {  	_ =	shalt  }
0x65: {  	_ =	shalt  }
0x66: {  	_ =	shalt  }
0x67: {  	_ =	shalt  }
0x68: {  	_ =	shalt  }
0x69: {  	_ =	shalt  }
0x6a: {  	_ =	shalt  }
0x6b: {  	_ =	shalt  }
0x6c: {  	_ =	shalt  }
0x6d: {  	_ =	shalt  }
0x6e: {  	_ =	shalt  }
0x6f: {  	_ =	shalt  }
0x70: {  	_ =	shalt  }
0x71: {  	_ =	shalt  }
0x72: {  	_ =	shalt  }
0x73: {  	_ =	shalt  }
0x74: {  	_ =	shalt  }
0x75: {  	_ =	shalt  }
0x76: {  	_ =	shalt  }
0x77: {  	_ =	shalt  }
0x78: {  	_ =	shalt  }
0x79: {  	_ =	shalt  }
0x7a: {  	_ =	shalt  }
0x7b: {  	_ =	shalt  }
0x7c: {  	_ =	shalt  }
0x7d: {  	_ =	shalt  }
0x7e: {  	_ =	shalt  }
0x7f: {  	_ =	shalt  }
0x80: {  	_ =	shalt  }
0x81: {  	_ =	shalt  }
0x82: {  	_ =	shalt  }
0x83: {  	_ =	shalt  }
0x84: {  	_ =	shalt  }
0x85: {  	_ =	shalt  }
0x86: {  	_ =	shalt  }
0x87: {  	_ =	shalt  }
.Lfunc_end0:
.L_simem_size_0:
called_computation.1_lowered:
.L_overlay_start_0:
0x88: {  	s2 =	sld [smem:$0x3FD9]  }
0x89: {  	s3 =	sld [smem:$0x3FFE];
	_ =	sdelay $0x1  }
0x8a: {  	s1 =	srdreg.scid  }
0x8b: {  	s0 =	sand.u32 $0x1, s1  }
0x8c: {  	s17 =	sshll.u32 s0, $0xA;
	s2 =	sadd.s32 s3, s2  }
0x8d: {  	s2 =	sadd.s32 s2, s17  }
0x8e: {  	[smem:$0x3FC2] =	sst s2  }
0x8f: {  	_ = 	snop  }
0x90: {  	s2 =	sld [smem:$0x3FD0];
	(tm) =	ssettm $0x1  }
0x91: {  	s18 =	sld [smem:$0x3FFB];
	_ =	sdelay $0x3  }
0x92: {  	_ =	strace s18  }
0x93: {  	s3 =	sld [smem:$0x3FFC];
	_ =	sdelay $0x3  }
0x94: {  	_ =	strace s3  }
0x95: {  	s3 =	sld [smem:$0x3FFD];
	_ =	sdelay $0x3  }
0x96: {  	_ =	strace s3  }
0x97: {  	_ =	strace $0x8FFFFFFF  }
0x98: {  	s19 =	sld [smem:$0x3FDB];
	_ =	sdelay $0x1  }
0x99: {  	s4 =	simm.s32 $_scs_section_size  }
0x9a: {  	s5 =	simm.s32 $_size__tile_overlayer_lowered;
	s6 =	simm.s32 $_tile_overlayer_lowered  }
0x9b: {  	s22 =	simm.s32 $0x1BFF;
	s21 =	sshll.u32 s6, $0x1;
	s3 =	sadd.s32 s4, s19  }
0x9c: {  	s7 =	simm.s32 $0x0;
	s20 =	sshll.u32 s5, $0x1;
	s5 =	sadd.s32 s21, s3  }
0x9d: {  	[timem:s7], [sflag:s22] =	dma.local [hbm:s5], s20  }
0x9e: {  	_ =	swait.ge [sflag:s22], s20  }
0x9f: {  	s4 =	ssub.s32 $0x0, s20;
	[sflag:s22] =	ssyncset.done $0x0  }
0xa0: {  	[sflag:s22] =	ssyncadd.s32 s4;
	_ =	sdelay $0x1  }
0xa1: {  	s23 =	simm.s32 $0x1B8B  }
0xa2: {  	_ =	swait.ge [sflag:s23], $0x1  }
0xa3: {  	[sflag:s23] =	ssyncset.done $0x0  }
0xa4: {  	s25 =	simm.s32 $0x1B8E;
	s24 =	sld [smem:$0x3FFE];
	[sflag:s23] =	ssyncadd.s32 $0xFFFFFFFF  }
0xa5: {  	s26 =	simm.s32 $execute0_lowered;
	[smem:$0x3FD2] =	sst s25  }
0xa6: {  	s5 =	sshll.u32 s26, $0x1;
	_ =	strace $0x80000049;
	[dreg:$0x1] =	wrdreg $0xFFFFFFFF  }
0xa7: {  	s28 =	simm.s32 $_size_execute0_lowered;
	s3 =	sadd.s32 s3, s5;
	[dreg:$0x0] =	wrdreg $0x0  }
0xa8: {  	s5 =	sshll.u32 s28, $0x1;
	[dreg:$0x2] =	wrdreg s3  }
0xa9: {  	[dreg:$0x3] =	wrdreg s5  }
0xaa: {  	[dreg:$0x4] =	wrdreg $0xC0  }
0xab: {  	_ =	task [dreg:s7], $0x5FFFF  }
0xac: {  	[dreg:$0x1] =	wrdreg $0xFFFFFFFF  }
0xad: {  	[dreg:$0x0] =	wrdreg $0x60  }
0xae: {  	[dreg:$0x2] =	wrdreg s2  }
0xaf: {  	[dreg:$0x3] =	wrdreg s24  }
0xb0: {  	[dreg:$0x4] =	wrdreg $0x41000  }
0xb1: {  	[dreg:$0x5] =	wrdreg $0x9  }
0xb2: {  	_ =	task.clear_ibuf [dreg:s7], $0x6FFFF;
	_ =	strace $0x90000049  }
0xb3: {  	s29 =	simm.s32 $0x9;
	_ =	strace $0x8000004B  }
0xb4: {  	_ =	swait.ge [sflag:s29], $0x1  }
0xb5: {  	[sflag:s29] =	ssyncadd.s32 $0xFFFFFFFF  }
0xb6: {  	_ =	strace $0x9000004B  }
0xb7: {  	_ =	sfence  }
0xb8: {  	s30 =	sld [smem:$0x0];
	_ =	sdelay $0x2  }
0xb9: {  	s31 =	sshll.u32 s1, $0xD;
	s1 =	sshrl.u32 s1, $0x2  }
0xba: {  	s3 =	sand.u32 $0x4000, s31;
	s1 =	sadd.s32 s1, s30  }
0xbb: {  	s0 =	sor.u32 s3, s0;
	s1 =	sshll.u32 s1, $0x11  }
0xbc: {  	s0 =	sor.u32 s1, s0  }
0xbd: {  	s0 =	sadd.s32 $0x8F2B, s0  }
0xbe: {  	[sflag:s0] =	ssyncadd.remote.s32 $0x1  }
0xbf: {  	_ =	sfence.sel $0xFFFF  }
0xc0: {  	[dreg:$0x0] =	wrdreg $0xFFFFFFFF;
	(pc) =	sbr.abs _section_cstart, $3  }
0xc1: {  	[dreg:$0x1] =	wrdreg $0xFFFFFFFF  }
0xc2: {  	_ =	task.clear_ibuf [dreg:s7], $0x2FFFF;
	_ =	strace $0x9FFFFFFF  }
0xc3: {  	(tm) =	ssettm $0x7FFFFFFF  }
tec
execute0_lowered:
.L_overlay_start_1:
0x0: {  	(tag) =	ssettag $0x1  }
0x1: {  	s10 =	rddreg [dreg:$0x0]  }
0x2: {  	s0 =	srdreg.scid;
	s5 =	rddreg [dreg:$0x1]  }
0x3: {  	s2 =	rddreg [dreg:$0x2];
	s6 =	sand.u32 $0x1, s0  }
0x4: {  	s0 =	stileid.u32;
	s4 =	smul.u32 $0x27800, s6  }
0x5: {  	s1 =	rddreg [dreg:$0x3];
	s3 =	simm.s32 $0x0;
	s7 =	smul.u32 $0x2780, s0  }
0x6: {  	s15 =	simm.s32 $0x1;
	[smem:$0x7FF] =	sst s3;
	s26 =	smul.u32 $0x2800, s0  }
0x7: {  	s16 =	simm.s32 $0x0;
	_ =	strace $0x8000004A;
	s8 =	smul.u32 $0x28000, s6  }
0x8: {  	s12 =	smul.u32 $0x50000, s0;
	s6 =	ssub.s32 $0x2, s6;
	s31 =	sshll.u32 s0, $0x6  }
0x9: {  	s28 =	sshrl.u32 s6, $0x1;
	s4 =	sadd.s32 s7, s4;
	s13 =	sadd.s32 s26, s5  }
0xa: {  	s7 =	sadd.s32 s26, s8;
	s29 =	sshrl.u32 s12, $0x2;
	s30 =	ssub.s32 s6, s28  }
0xb: {  	s6 =	sor.u32 $0x1C02, s31;
	s12 =	simm.s32 $0x2;
	s11 =	sshrl.u32 s4, $0x3  }
0xc: {  	s4 =	sadd.s32 $0x33C00, s5;
	s7 =	sadd.s32 s7, s5;
	s14 =	sadd.s32 s29, s2  }
0xd: {  	s8 =	smax.u32 s30, $0x1;
	s9 =	sadd.s32 s11, s5;
	s5 =	sadd.s32 $0xBC00, s13  }
0xe: {  	s7 =	sadd.s32 $0x5BC00, s7;
	s10 =	sadd.s32 s11, s10;
	s11 =	sshrl.u32 s14, $0x3  }
0xf: {  	s13 =	simm.s32 $0x80;
	s14 =	simm.s32 $0x100;
	s9 =	sadd.s32 $0x1E00, s9  }
.LBB2_1:
0x10: {  	[spmem:s11], [sflag:s6] =	dma.local [hbm:s5], $0x2800  }
0x11: {  	_ =	swait.ge [sflag:s12], $0x2800  }
0x12: {  	[sflag:s12] =	ssyncset.done $0x0  }
0x13: {  	[sflag:s12] =	ssyncadd.s32 $0xFFFFD800  }
0x14: {  	s17 =	sadd.s32 $0x0, s10;
	[bflag:$0x0] =	sbarrier.arrive $0xFFFF  }
0x15: {  	[tilespmem:s3], [sflag:$0x2] =	stream.linear.gather [hbm4b:s17+s3], $0x80, $0x38;
	[tilespmem:$0x18100] =	vst v63  }
0x16: {  	_ =	swait.ge [sflag:s12], $0x80  }
0x17: {  	[sflag:s12] =	ssyncset.done $0x0  }
0x18: {  	s31 =	sadd.s32 $0x0, s9;
	[sflag:s12] =	ssyncadd.s32 $0xFFFFFF80  }
0x19: {  	[tilespmem:s13], [sflag:$0x2] =	stream.linear.gather [hbm4b:s31+s3], $0x80, $0x38;
	[tilespmem:$0x18100] =	vst v63  }
0x1a: {  	_ =	swait.ge [sflag:s12], $0x80  }
0x1b: {  	[sflag:s12] =	ssyncset.done $0x0  }
0x1c: {  	[sflag:s12] =	ssyncadd.s32 $0xFFFFFF80  }
0x1d: {  	[tilespmem:s14], [sflag:$0x1] =	stream.indirect.gather [hbm4b:s4+s13], $0x80, s3, s13, $0xb8;
	[tilespmem:$0x18100] =	vst v63  }
0x1e: {  	_ =	swait.ge [sflag:s15], $0x4000  }
0x1f: {  	[sflag:s15] =	ssyncset.done $0x0  }
0x20: {  	[sflag:s15] =	ssyncadd.s32 $0xFFFFC000  }
0x21: {  	[spmem:s2] =	stream.indirect.scatter.add.f32 [tilespmem:s14], [sflag:$0x2], $0x80, s13, s13, $0xb8;
	[tilespmem:$0x18100] =	vst v63  }
0x22: {  	_ =	swait.ge [sflag:s12], $0x4000  }
0x23: {  	s18 =	simm.s32 $0x20;
	s17 =	simm.s32 $0x10;
	[sflag:s12] =	ssyncset.done $0x0  }
.LBB2_2:
0x24: {  	s19 =	sadd.s32 s17, s10  }
0x25: {  	[sflag:s12] =	ssyncadd.s32 $0xFFFFC000;
	s20 =	smov.u32 s18;
	s21 =	sadd.s32 $0x10, s18  }
0x26: {  	[tilespmem:s3], [sflag:$0x2] =	stream.linear.gather [hbm4b:s19+s3], $0x80, $0x38;
	[tilespmem:$0x18100] =	vst v63  }
0x27: {  	p0 =	sne.s32 s18, $0x4E0;
	_ =	swait.ge [sflag:s12], $0x80  }
0x28: {  	[sflag:s12] =	ssyncset.done $0x0  }
0x29: {  	s18 =	sadd.s32 s17, s9;
	s17 =	smov.u32 s20;
	[sflag:s12] =	ssyncadd.s32 $0xFFFFFF80  }
0x2a: {  	[tilespmem:s13], [sflag:$0x2] =	stream.linear.gather [hbm4b:s18+s3], $0x80, $0x38;
	[tilespmem:$0x18100] =	vst v63  }
0x2b: {  	_ =	swait.ge [sflag:s12], $0x80  }
0x2c: {  	[sflag:s12] =	ssyncset.done $0x0  }
0x2d: {  	[sflag:s12] =	ssyncadd.s32 $0xFFFFFF80  }
0x2e: {  	[tilespmem:s14], [sflag:$0x1] =	stream.indirect.gather [hbm4b:s4+s13], $0x80, s3, s13, $0xb8;
	[tilespmem:$0x18100] =	vst v63  }
0x2f: {  	_ =	swait.ge [sflag:s15], $0x4000  }
.Ltmp0:
0x30: {  	[sflag:s15] =	ssyncset.done $0x0;
	(pc) =	sbr.rel @p0 .LBB2_2-.Ltmp0, $4  }
0x31: {  	[sflag:s15] =	ssyncadd.s32 $0xFFFFC000  }
0x32: {  	[spmem:s2] =	stream.indirect.scatter.add.f32 [tilespmem:s14], [sflag:$0x2], $0x80, s13, s13, $0xb8;
	[tilespmem:$0x18100] =	vst v63  }
0x33: {  	_ =	swait.ge [sflag:s12], $0x4000  }
0x34: {  	s18 =	smov.u32 s21;
	[sflag:s12] =	ssyncset.done $0x0  }
0x35: {  	s18 =	sadd.s32 s17, s10;
	[sflag:s12] =	ssyncadd.s32 $0xFFFFC000  }
0x36: {  	[tilespmem:s3], [sflag:$0x2] =	stream.linear.gather [hbm4b:s18+s3], $0x80, $0x38;
	[tilespmem:$0x18100] =	vst v63  }
0x37: {  	_ =	swait.ge [sflag:s12], $0x80  }
0x38: {  	[sflag:s12] =	ssyncset.done $0x0  }
0x39: {  	s31 =	sadd.s32 s17, s9;
	[sflag:s12] =	ssyncadd.s32 $0xFFFFFF80  }
0x3a: {  	[tilespmem:s13], [sflag:$0x2] =	stream.linear.gather [hbm4b:s31+s3], $0x80, $0x38;
	[tilespmem:$0x18100] =	vst v63  }
0x3b: {  	_ =	swait.ge [sflag:s12], $0x80  }
0x3c: {  	[sflag:s12] =	ssyncset.done $0x0  }
0x3d: {  	[sflag:s12] =	ssyncadd.s32 $0xFFFFFF80  }
0x3e: {  	[tilespmem:s14], [sflag:$0x1] =	stream.indirect.gather [hbm4b:s4+s13], $0x80, s3, s13, $0xb8;
	[tilespmem:$0x18100] =	vst v63  }
0x3f: {  	_ =	swait.ge [sflag:s15], $0x4000  }
0x40: {  	[sflag:s15] =	ssyncset.done $0x0  }
0x41: {  	[sflag:s15] =	ssyncadd.s32 $0xFFFFC000  }
0x42: {  	[spmem:s2] =	stream.indirect.scatter.add.f32 [tilespmem:s14], [sflag:$0x2], $0x80, s13, s13, $0xb8;
	[tilespmem:$0x18100] =	vst v63  }
0x43: {  	_ =	swait.ge [sflag:s12], $0x4000  }
0x44: {  	s16 =	sadd.s32 $0x1, s16;
	[sflag:s12] =	ssyncset.done $0x0  }
0x45: {  	p0 =	sne.s32 s16, s8;
	[sflag:s12] =	ssyncadd.s32 $0xFFFFC000  }
.Ltmp1:
0x46: {  	[bflag:$0x0] =	sbarrier.arrive $0xFFFF;
	(pc) =	sbr.rel @p0 .LBB2_1-.Ltmp1, $4  }
0x47: {  	[hbm:s7], [sflag:s6] =	dma.local [spmem:s11], $0x2800  }
0x48: {  	_ =	swait.ge [sflag:s12], $0x2800  }
0x49: {  	[sflag:s12] =	ssyncset.done $0x0  }
0x4a: {  	[sflag:s12] =	ssyncadd.s32 $0xFFFFD800  }
0x4b: {  	_ =	sfence.sel $0x180000  }
0x4c: {  	[bflag:$0x0] =	sbarrier.arrive $0xFFFF  }
0x4d: {  	p0 =	sne.s32 s0, $0x0;
	_ =	strace $0x9000004A  }
0x4e: {  	s0 =	sadd.s32 @!p0 $0x100000, s1;
	[bflag:$0x2] =	sbarrier.arrive $0xFFFF  }
0x4f: {  	[sflag:s0] =	ssyncadd.tile.s32 @!p0 $0x1;
	_ =	shalt  }
.Lfunc_end2:
_tile_overlayer_lowered:
.L_overlay_start_2:
0x50: {  	(tag) =	ssettag $0x2  }
0x51: {  	s0 =	rddreg [dreg:$0x0];
	s2 =	stileid.u32  }
0x52: {  	s1 =	rddreg [dreg:$0x1];
	p0 =	sne.s32 s2, $0x0  }
0x53: {  	s3 =	rddreg [dreg:$0x2];
	[bflag:$0x3] =	sbarrier.arrive $0xFFFF;
	s2 =	simm.s32 @!p0 $0x1C02  }
0x54: {  	[timem:s3], [sflag:s2] =	dma.local @!p0 [hbm:s0], s1  }
0x55: {  	s0 =	simm.s32 @!p0 $0x2  }
0x56: {  	_ =	swait.ge @!p0 [sflag:s0], s1  }
0x57: {  	s1 =	ssub.s32 @!p0 $0x0, s1;
	[sflag:s0] =	ssyncset.done @!p0 $0x0  }
0x58: {  	[sflag:s0] =	ssyncadd.s32 @!p0 s1  }
0x59: {  	[bflag:$0x3] =	sbarrier.arrive $0xFFFF  }
0x5a: {  	_ =	shalt  }

// kernel: kernel.14.cloned.1.call-start
scs
__scs_entry_jumppad:
0x0: {  	(pc) =	sbr.rel $0x88, $3  }
0x1: {  	(tag) =	ssettag $0x0;
	lr =	simm.s32 $0x1  }
0x2: {  	[smem:$0x3F9B] =	sst lr;
	_ =	strace $0xD0000000  }
0x3: {  	_ = 	snop  }
0x4: {  	_ = 	snop  }
0x5: {  	_ = 	snop  }
0x6: {  	_ = 	snop  }
0x7: {  	_ = 	snop  }
__scs_overlays_trampoline_lowered:
0x8: {  	[smem:$0x3FAA] =	sst s0  }
0x9: {  	[smem:$0x3FAB] =	sst s1  }
0xa: {  	[smem:$0x3FAC] =	sst s2  }
0xb: {  	[smem:$0x3FAD] =	sst s3  }
0xc: {  	[smem:$0x3FAE] =	sst s4  }
0xd: {  	[smem:$0x3FAF] =	sst s5  }
0xe: {  	[smem:$0x3FB0] =	sst s6  }
0xf: {  	[smem:$0x3FB1] =	sst s7  }
0x10: {  	[smem:$0x3FB2] =	sst s8  }
0x11: {  	[smem:$0x3FB3] =	sst s9;
	s0 =	simm.s32 @!p0 $0x0  }
0x12: {  	s1 =	sld [smem:$0x3F99];
	s0 =	simm.s32 @p0 $0x1  }
0x13: {  	[smem:$0x3FB4] =	sst s0;
	s0 =	simm.s32 @!p1 $0x0  }
0x14: {  	s2 =	sld [smem:$0x3F98];
	s0 =	simm.s32 @p1 $0x1  }
0x15: {  	[smem:$0x3FB5] =	sst s0;
	s0 =	simm.s32 @!p2 $0x0  }
0x16: {  	s3 =	sld [smem:$0x3FDB];
	s0 =	simm.s32 @p2 $0x1  }
0x17: {  	s4 =	simm.s32 $0x1BF5;
	[smem:$0x3FB7] =	sst s0  }
0x18: {  	s0 =	sld [smem:$0x3F9A];
	_ =	swait.ge [sflag:s4], $0x0  }
0x19: {  	s7 =	sld [smem:$0x3F9B]  }
0x1a: {  	s8 =	sadd.s32 $0xFFFFE003, lr  }
0x1b: {  	s9 =	sadd.s32 $0xFFFFFEF7, lr;
	s5 =	simm.s32 $0xFFFFFFFF;
	p2 =	slt.u32 s8, $0xFFFFF086  }
0x1c: {  	p1 =	slt.u32 s9, $0xF7A;
	s5 =	simm.s32 @!p2 $0x0  }
0x1d: {  	s5 =	simm.s32 @p1 $0x1;
	p0 =	seq.s32 s7, s2  }
0x1e: {  	s7 =	smul.u32 @!p0 $0xF7A, s2;
	p2 =	seq.s32 @!p0 s5, $0x0  }
0x1f: {  	s9 =	smul.u32 $0xF7A, s1;
	s8 =	simm.s32 @!p0 $0x1BF5;
	p2 =	por !p2, p0  }
0x20: {  	[sflag:s8] =	ssyncset.s32 @!p0 $0xFFFFF086;
	s6 =	sadd.s32 @!p0 s3, s7;
	s7 =	simm.s32 @!p0 $0x108  }
0x21: {  	s3 =	sadd.s32 s3, s9;
	s6 =	sadd.s32 @!p0 $0x88, s6;
	s7 =	simm.s32 @p2 $0x1082  }
0x22: {  	[simem:s7], [sflag:s8] =	dma.local @!p0 [hbm:s6], $0xF7A  }
0x23: {  	s9 =	sor.u32 $0xD0000000, s2;
	s6 =	simm.s32 $0x108;
	_ =	swait.ge @!p0 [sflag:s8], $0x0  }
0x24: {  	s3 =	sadd.s32 $0x88, s3;
	s6 =	simm.s32 @!p1 $0x1082;
	[sflag:s4] =	ssyncset.s32 $0xFFFFF086  }
0x25: {  	[simem:s6], [sflag:s4] =	dma.local [hbm:s3], $0xF7A  }
0x26: {  	[smem:$0x3F9B] =	sst s1;
	(tag) =	ssettag s2;
	_ =	strace s9  }
0x27: {  	s1 =	sld [smem:$0x3FAB]  }
0x28: {  	s2 =	sld [smem:$0x3FAC]  }
0x29: {  	s4 =	sld [smem:$0x3FAE]  }
0x2a: {  	p0 =	seq.s32 s5, $0x0;
	s5 =	sld [smem:$0x3FAF]  }
0x2b: {  	s6 =	sld [smem:$0x3FB0]  }
0x2c: {  	s7 =	sld [smem:$0x3FB1]  }
0x2d: {  	s3 =	simm.s32 $0x108;
	s8 =	sld [smem:$0x3FB2]  }
0x2e: {  	s3 =	simm.s32 @!p0 $0x1082;
	s9 =	sld [smem:$0x3FB3]  }
0x2f: {  	lr =	sadd.s32 s0, s3;
	s0 =	sld [smem:$0x3FAA]  }
0x30: {  	s3 =	sld [smem:$0x3FAD]  }
0x31: {  	[smem:$0x3FB6] =	sst s10  }
0x32: {  	s10 =	sld [smem:$0x3FB4];
	_ =	sdelay $0x3  }
0x33: {  	p0 =	seq.s32 s10, $0x1;
	s10 =	sld [smem:$0x3FB6];
	_ =	sdelay $0x3  }
0x34: {  	[smem:$0x3FB6] =	sst s10  }
0x35: {  	s10 =	sld [smem:$0x3FB5];
	_ =	sdelay $0x3  }
0x36: {  	p1 =	seq.s32 s10, $0x1;
	s10 =	sld [smem:$0x3FB6];
	_ =	sdelay $0x3  }
0x37: {  	[smem:$0x3FB6] =	sst s10  }
0x38: {  	s10 =	sld [smem:$0x3FB7]  }
0x39: {  	_ = 	snop;
	(pc) =	sbr.ind lr, $3  }
0x3a: {  	_ = 	snop  }
0x3b: {  	_ = 	snop  }
0x3c: {  	p2 =	seq.s32 s10, $0x1;
	s10 =	sld [smem:$0x3FB6]  }
0x3d: {  	_ =	shalt  }
0x3e: {  	_ =	shalt  }
0x3f: {  	_ =	shalt  }
0x40: {  	_ =	shalt  }
0x41: {  	_ =	shalt  }
0x42: {  	_ =	shalt  }
0x43: {  	_ =	shalt  }
0x44: {  	_ =	shalt  }
0x45: {  	_ =	shalt  }
0x46: {  	_ =	shalt  }
0x47: {  	_ =	shalt  }
0x48: {  	_ =	shalt  }
0x49: {  	_ =	shalt  }
0x4a: {  	_ =	shalt  }
0x4b: {  	_ =	shalt  }
0x4c: {  	_ =	shalt  }
0x4d: {  	_ =	shalt  }
0x4e: {  	_ =	shalt  }
0x4f: {  	_ =	shalt  }
0x50: {  	_ =	shalt  }
0x51: {  	_ =	shalt  }
0x52: {  	_ =	shalt  }
0x53: {  	_ =	shalt  }
0x54: {  	_ =	shalt  }
0x55: {  	_ =	shalt  }
0x56: {  	_ =	shalt  }
0x57: {  	_ =	shalt  }
0x58: {  	_ =	shalt  }
0x59: {  	_ =	shalt  }
0x5a: {  	_ =	shalt  }
0x5b: {  	_ =	shalt  }
0x5c: {  	_ =	shalt  }
0x5d: {  	_ =	shalt  }
0x5e: {  	_ =	shalt  }
0x5f: {  	_ =	shalt  }
0x60: {  	_ =	shalt  }
0x61: {  	_ =	shalt  }
0x62: {  	_ =	shalt  }
0x63: {  	_ =	shalt  }
0x64: {  	_ =	shalt  }
0x65: {  	_ =	shalt  }
0x66: {  	_ =	shalt  }
0x67: {  	_ =	shalt  }
0x68: {  	_ =	shalt  }
0x69: {  	_ =	shalt  }
0x6a: {  	_ =	shalt  }
0x6b: {  	_ =	shalt  }
0x6c: {  	_ =	shalt  }
0x6d: {  	_ =	shalt  }
0x6e: {  	_ =	shalt  }
0x6f: {  	_ =	shalt  }
0x70: {  	_ =	shalt  }
0x71: {  	_ =	shalt  }
0x72: {  	_ =	shalt  }
0x73: {  	_ =	shalt  }
0x74: {  	_ =	shalt  }
0x75: {  	_ =	shalt  }
0x76: {  	_ =	shalt  }
0x77: {  	_ =	shalt  }
0x78: {  	_ =	shalt  }
0x79: {  	_ =	shalt  }
0x7a: {  	_ =	shalt  }
0x7b: {  	_ =	shalt  }
0x7c: {  	_ =	shalt  }
0x7d: {  	_ =	shalt  }
0x7e: {  	_ =	shalt  }
0x7f: {  	_ =	shalt  }
0x80: {  	_ =	shalt  }
0x81: {  	_ =	shalt  }
0x82: {  	_ =	shalt  }
0x83: {  	_ =	shalt  }
0x84: {  	_ =	shalt  }
0x85: {  	_ =	shalt  }
0x86: {  	_ =	shalt  }
0x87: {  	_ =	shalt  }
.Lfunc_end0:
.L_simem_size_0:
called_computation.2_lowered:
.L_overlay_start_0:
0x88: {  	s2 =	sld [smem:$0x3FD9]  }
0x89: {  	s3 =	sld [smem:$0x3FFE];
	_ =	sdelay $0x1  }
0x8a: {  	s1 =	srdreg.scid  }
0x8b: {  	s0 =	sand.u32 $0x1, s1  }
0x8c: {  	s17 =	sshll.u32 s0, $0xA;
	s2 =	sadd.s32 s3, s2  }
0x8d: {  	s2 =	sadd.s32 s2, s17  }
0x8e: {  	[smem:$0x3FC2] =	sst s2  }
0x8f: {  	_ = 	snop  }
0x90: {  	s2 =	sld [smem:$0x3FD0];
	(tm) =	ssettm $0x1  }
0x91: {  	s18 =	sld [smem:$0x3FFB];
	_ =	sdelay $0x3  }
0x92: {  	_ =	strace s18  }
0x93: {  	s3 =	sld [smem:$0x3FFC];
	_ =	sdelay $0x3  }
0x94: {  	_ =	strace s3  }
0x95: {  	s3 =	sld [smem:$0x3FFD];
	_ =	sdelay $0x3  }
0x96: {  	_ =	strace s3  }
0x97: {  	_ =	strace $0x8FFFFFFF  }
0x98: {  	s19 =	sld [smem:$0x3FDB];
	_ =	sdelay $0x1  }
0x99: {  	s4 =	simm.s32 $_scs_section_size  }
0x9a: {  	s5 =	simm.s32 $_size__tile_overlayer_lowered;
	s6 =	simm.s32 $_tile_overlayer_lowered  }
0x9b: {  	s22 =	simm.s32 $0x1BFF;
	s21 =	sshll.u32 s6, $0x1;
	s3 =	sadd.s32 s4, s19  }
0x9c: {  	s7 =	simm.s32 $0x0;
	s20 =	sshll.u32 s5, $0x1;
	s5 =	sadd.s32 s21, s3  }
0x9d: {  	[timem:s7], [sflag:s22] =	dma.local [hbm:s5], s20  }
0x9e: {  	_ =	swait.ge [sflag:s22], s20  }
0x9f: {  	s4 =	ssub.s32 $0x0, s20;
	[sflag:s22] =	ssyncset.done $0x0  }
0xa0: {  	[sflag:s22] =	ssyncadd.s32 s4;
	_ =	sdelay $0x1  }
0xa1: {  	s23 =	simm.s32 $0x1B8B  }
0xa2: {  	_ =	swait.ge [sflag:s23], $0x1  }
0xa3: {  	[sflag:s23] =	ssyncset.done $0x0  }
0xa4: {  	s25 =	simm.s32 $0x1B8E;
	s24 =	sld [smem:$0x3FFE];
	[sflag:s23] =	ssyncadd.s32 $0xFFFFFFFF  }
0xa5: {  	s26 =	simm.s32 $execute0_lowered;
	[smem:$0x3FD2] =	sst s25  }
0xa6: {  	s5 =	sshll.u32 s26, $0x1;
	_ =	strace $0x8000004C;
	[dreg:$0x1] =	wrdreg $0xFFFFFFFF  }
0xa7: {  	s28 =	simm.s32 $_size_execute0_lowered;
	s3 =	sadd.s32 s3, s5;
	[dreg:$0x0] =	wrdreg $0x0  }
0xa8: {  	s5 =	sshll.u32 s28, $0x1;
	[dreg:$0x2] =	wrdreg s3  }
0xa9: {  	[dreg:$0x3] =	wrdreg s5  }
0xaa: {  	[dreg:$0x4] =	wrdreg $0xC0  }
0xab: {  	_ =	task [dreg:s7], $0x5FFFF  }
0xac: {  	[dreg:$0x1] =	wrdreg $0xFFFFFFFF  }
0xad: {  	[dreg:$0x0] =	wrdreg $0x60  }
0xae: {  	[dreg:$0x2] =	wrdreg s2  }
0xaf: {  	[dreg:$0x3] =	wrdreg s24  }
0xb0: {  	[dreg:$0x4] =	wrdreg $0x41000  }
0xb1: {  	[dreg:$0x5] =	wrdreg $0x9  }
0xb2: {  	_ =	task.clear_ibuf [dreg:s7], $0x6FFFF;
	_ =	strace $0x9000004C  }
0xb3: {  	s29 =	simm.s32 $0x9;
	_ =	strace $0x8000004E  }
0xb4: {  	_ =	swait.ge [sflag:s29], $0x1  }
0xb5: {  	[sflag:s29] =	ssyncadd.s32 $0xFFFFFFFF  }
0xb6: {  	_ =	strace $0x9000004E  }
0xb7: {  	_ =	sfence  }
0xb8: {  	s30 =	sld [smem:$0x0];
	_ =	sdelay $0x2  }
0xb9: {  	s31 =	sshll.u32 s1, $0xD;
	s1 =	sshrl.u32 s1, $0x2  }
0xba: {  	s3 =	sand.u32 $0x4000, s31;
	s1 =	sadd.s32 s1, s30  }
0xbb: {  	s0 =	sor.u32 s3, s0;
	s1 =	sshll.u32 s1, $0x11  }
0xbc: {  	s0 =	sor.u32 s1, s0  }
0xbd: {  	s0 =	sadd.s32 $0x8F2B, s0  }
0xbe: {  	[sflag:s0] =	ssyncadd.remote.s32 $0x1  }
0xbf: {  	_ =	sfence.sel $0xFFFF  }
0xc0: {  	[dreg:$0x0] =	wrdreg $0xFFFFFFFF;
	(pc) =	sbr.abs _section_cstart, $3  }
0xc1: {  	[dreg:$0x1] =	wrdreg $0xFFFFFFFF  }
0xc2: {  	_ =	task.clear_ibuf [dreg:s7], $0x2FFFF;
	_ =	strace $0x9FFFFFFF  }
0xc3: {  	(tm) =	ssettm $0x7FFFFFFF  }
tec
execute0_lowered:
.L_overlay_start_1:
0x0: {  	(tag) =	ssettag $0x1  }
0x1: {  	s10 =	rddreg [dreg:$0x0]  }
0x2: {  	s0 =	srdreg.scid;
	s5 =	rddreg [dreg:$0x1]  }
0x3: {  	s2 =	rddreg [dreg:$0x2];
	s6 =	sand.u32 $0x1, s0  }
0x4: {  	s0 =	stileid.u32;
	s4 =	smul.u32 $0x27800, s6  }
0x5: {  	s1 =	rddreg [dreg:$0x3];
	s3 =	simm.s32 $0x0;
	s7 =	smul.u32 $0x2780, s0  }
0x6: {  	s15 =	simm.s32 $0x1;
	[smem:$0x7FF] =	sst s3;
	s26 =	smul.u32 $0x2800, s0  }
0x7: {  	s16 =	simm.s32 $0x0;
	_ =	strace $0x8000004D;
	s8 =	smul.u32 $0x28000, s6  }
0x8: {  	s12 =	smul.u32 $0x50000, s0;
	s6 =	ssub.s32 $0x2, s6;
	s31 =	sshll.u32 s0, $0x6  }
0x9: {  	s28 =	sshrl.u32 s6, $0x1;
	s4 =	sadd.s32 s7, s4;
	s13 =	sadd.s32 s26, s5  }
0xa: {  	s7 =	sadd.s32 s26, s8;
	s29 =	sshrl.u32 s12, $0x2;
	s30 =	ssub.s32 s6, s28  }
0xb: {  	s6 =	sor.u32 $0x1C02, s31;
	s12 =	simm.s32 $0x2;
	s11 =	sshrl.u32 s4, $0x3  }
0xc: {  	s4 =	sadd.s32 $0x33C00, s5;
	s7 =	sadd.s32 s7, s5;
	s14 =	sadd.s32 s29, s2  }
0xd: {  	s8 =	smax.u32 s30, $0x1;
	s9 =	sadd.s32 s11, s5;
	s5 =	sadd.s32 $0xBC00, s13  }
0xe: {  	s7 =	sadd.s32 $0x5BC00, s7;
	s10 =	sadd.s32 s11, s10;
	s11 =	sshrl.u32 s14, $0x3  }
0xf: {  	s13 =	simm.s32 $0x80;
	s14 =	simm.s32 $0x100;
	s9 =	sadd.s32 $0x1E00, s9  }
.LBB2_1:
0x10: {  	[spmem:s11], [sflag:s6] =	dma.local [hbm:s5], $0x2800  }
0x11: {  	_ =	swait.ge [sflag:s12], $0x2800  }
0x12: {  	[sflag:s12] =	ssyncset.done $0x0  }
0x13: {  	[sflag:s12] =	ssyncadd.s32 $0xFFFFD800  }
0x14: {  	s17 =	sadd.s32 $0x0, s10;
	[bflag:$0x0] =	sbarrier.arrive $0xFFFF  }
0x15: {  	[tilespmem:s3], [sflag:$0x2] =	stream.linear.gather [hbm4b:s17+s3], $0x80, $0x38;
	[tilespmem:$0x18100] =	vst v63  }
0x16: {  	_ =	swait.ge [sflag:s12], $0x80  }
0x17: {  	[sflag:s12] =	ssyncset.done $0x0  }
0x18: {  	s31 =	sadd.s32 $0x0, s9;
	[sflag:s12] =	ssyncadd.s32 $0xFFFFFF80  }
0x19: {  	[tilespmem:s13], [sflag:$0x2] =	stream.linear.gather [hbm4b:s31+s3], $0x80, $0x38;
	[tilespmem:$0x18100] =	vst v63  }
0x1a: {  	_ =	swait.ge [sflag:s12], $0x80  }
0x1b: {  	[sflag:s12] =	ssyncset.done $0x0  }
0x1c: {  	[sflag:s12] =	ssyncadd.s32 $0xFFFFFF80  }
0x1d: {  	[tilespmem:s14], [sflag:$0x1] =	stream.indirect.gather [hbm4b:s4+s13], $0x80, s3, s13, $0xb8;
	[tilespmem:$0x18100] =	vst v63  }
0x1e: {  	_ =	swait.ge [sflag:s15], $0x4000  }
0x1f: {  	[sflag:s15] =	ssyncset.done $0x0  }
0x20: {  	[sflag:s15] =	ssyncadd.s32 $0xFFFFC000  }
0x21: {  	[spmem:s2] =	stream.indirect.scatter.add.f32 [tilespmem:s14], [sflag:$0x2], $0x80, s13, s13, $0xb8;
	[tilespmem:$0x18100] =	vst v63  }
0x22: {  	_ =	swait.ge [sflag:s12], $0x4000  }
0x23: {  	s18 =	simm.s32 $0x20;
	s17 =	simm.s32 $0x10;
	[sflag:s12] =	ssyncset.done $0x0  }
.LBB2_2:
0x24: {  	s19 =	sadd.s32 s17, s10  }
0x25: {  	[sflag:s12] =	ssyncadd.s32 $0xFFFFC000;
	s20 =	smov.u32 s18;
	s21 =	sadd.s32 $0x10, s18  }
0x26: {  	[tilespmem:s3], [sflag:$0x2] =	stream.linear.gather [hbm4b:s19+s3], $0x80, $0x38;
	[tilespmem:$0x18100] =	vst v63  }
0x27: {  	p0 =	sne.s32 s18, $0x4E0;
	_ =	swait.ge [sflag:s12], $0x80  }
0x28: {  	[sflag:s12] =	ssyncset.done $0x0  }
0x29: {  	s18 =	sadd.s32 s17, s9;
	s17 =	smov.u32 s20;
	[sflag:s12] =	ssyncadd.s32 $0xFFFFFF80  }
0x2a: {  	[tilespmem:s13], [sflag:$0x2] =	stream.linear.gather [hbm4b:s18+s3], $0x80, $0x38;
	[tilespmem:$0x18100] =	vst v63  }
0x2b: {  	_ =	swait.ge [sflag:s12], $0x80  }
0x2c: {  	[sflag:s12] =	ssyncset.done $0x0  }
0x2d: {  	[sflag:s12] =	ssyncadd.s32 $0xFFFFFF80  }
0x2e: {  	[tilespmem:s14], [sflag:$0x1] =	stream.indirect.gather [hbm4b:s4+s13], $0x80, s3, s13, $0xb8;
	[tilespmem:$0x18100] =	vst v63  }
0x2f: {  	_ =	swait.ge [sflag:s15], $0x4000  }
.Ltmp0:
0x30: {  	[sflag:s15] =	ssyncset.done $0x0;
	(pc) =	sbr.rel @p0 .LBB2_2-.Ltmp0, $4  }
0x31: {  	[sflag:s15] =	ssyncadd.s32 $0xFFFFC000  }
0x32: {  	[spmem:s2] =	stream.indirect.scatter.add.f32 [tilespmem:s14], [sflag:$0x2], $0x80, s13, s13, $0xb8;
	[tilespmem:$0x18100] =	vst v63  }
0x33: {  	_ =	swait.ge [sflag:s12], $0x4000  }
0x34: {  	s18 =	smov.u32 s21;
	[sflag:s12] =	ssyncset.done $0x0  }
0x35: {  	s18 =	sadd.s32 s17, s10;
	[sflag:s12] =	ssyncadd.s32 $0xFFFFC000  }
0x36: {  	[tilespmem:s3], [sflag:$0x2] =	stream.linear.gather [hbm4b:s18+s3], $0x80, $0x38;
	[tilespmem:$0x18100] =	vst v63  }
0x37: {  	_ =	swait.ge [sflag:s12], $0x80  }
0x38: {  	[sflag:s12] =	ssyncset.done $0x0  }
0x39: {  	s31 =	sadd.s32 s17, s9;
	[sflag:s12] =	ssyncadd.s32 $0xFFFFFF80  }
0x3a: {  	[tilespmem:s13], [sflag:$0x2] =	stream.linear.gather [hbm4b:s31+s3], $0x80, $0x38;
	[tilespmem:$0x18100] =	vst v63  }
0x3b: {  	_ =	swait.ge [sflag:s12], $0x80  }
0x3c: {  	[sflag:s12] =	ssyncset.done $0x0  }
0x3d: {  	[sflag:s12] =	ssyncadd.s32 $0xFFFFFF80  }
0x3e: {  	[tilespmem:s14], [sflag:$0x1] =	stream.indirect.gather [hbm4b:s4+s13], $0x80, s3, s13, $0xb8;
	[tilespmem:$0x18100] =	vst v63  }
0x3f: {  	_ =	swait.ge [sflag:s15], $0x4000  }
0x40: {  	[sflag:s15] =	ssyncset.done $0x0  }
0x41: {  	[sflag:s15] =	ssyncadd.s32 $0xFFFFC000  }
0x42: {  	[spmem:s2] =	stream.indirect.scatter.add.f32 [tilespmem:s14], [sflag:$0x2], $0x80, s13, s13, $0xb8;
	[tilespmem:$0x18100] =	vst v63  }
0x43: {  	_ =	swait.ge [sflag:s12], $0x4000  }
0x44: {  	s16 =	sadd.s32 $0x1, s16;
	[sflag:s12] =	ssyncset.done $0x0  }
0x45: {  	p0 =	sne.s32 s16, s8;
	[sflag:s12] =	ssyncadd.s32 $0xFFFFC000  }
.Ltmp1:
0x46: {  	[bflag:$0x0] =	sbarrier.arrive $0xFFFF;
	(pc) =	sbr.rel @p0 .LBB2_1-.Ltmp1, $4  }
0x47: {  	[hbm:s7], [sflag:s6] =	dma.local [spmem:s11], $0x2800  }
0x48: {  	_ =	swait.ge [sflag:s12], $0x2800  }
0x49: {  	[sflag:s12] =	ssyncset.done $0x0  }
0x4a: {  	[sflag:s12] =	ssyncadd.s32 $0xFFFFD800  }
0x4b: {  	_ =	sfence.sel $0x180000  }
0x4c: {  	[bflag:$0x0] =	sbarrier.arrive $0xFFFF  }
0x4d: {  	p0 =	sne.s32 s0, $0x0;
	_ =	strace $0x9000004D  }
0x4e: {  	s0 =	sadd.s32 @!p0 $0x100000, s1;
	[bflag:$0x2] =	sbarrier.arrive $0xFFFF  }
0x4f: {  	[sflag:s0] =	ssyncadd.tile.s32 @!p0 $0x1;
	_ =	shalt  }
.Lfunc_end2:
_tile_overlayer_lowered:
.L_overlay_start_2:
0x50: {  	(tag) =	ssettag $0x2  }
0x51: {  	s0 =	rddreg [dreg:$0x0];
	s2 =	stileid.u32  }
0x52: {  	s1 =	rddreg [dreg:$0x1];
	p0 =	sne.s32 s2, $0x0  }
0x53: {  	s3 =	rddreg [dreg:$0x2];
	[bflag:$0x3] =	sbarrier.arrive $0xFFFF;
	s2 =	simm.s32 @!p0 $0x1C02  }
0x54: {  	[timem:s3], [sflag:s2] =	dma.local @!p0 [hbm:s0], s1  }
0x55: {  	s0 =	simm.s32 @!p0 $0x2  }
0x56: {  	_ =	swait.ge @!p0 [sflag:s0], s1  }
0x57: {  	s1 =	ssub.s32 @!p0 $0x0, s1;
	[sflag:s0] =	ssyncset.done @!p0 $0x0  }
0x58: {  	[sflag:s0] =	ssyncadd.s32 @!p0 s1  }
0x59: {  	[bflag:$0x3] =	sbarrier.arrive $0xFFFF  }
0x5a: {  	_ =	shalt  }

// kernel: kernel.8.cloned.1.call-start
scs
__scs_entry_jumppad:
0x0: {  	(pc) =	sbr.rel $0x88, $3  }
0x1: {  	(tag) =	ssettag $0x0;
	lr =	simm.s32 $0x1  }
0x2: {  	[smem:$0x3F9B] =	sst lr;
	_ =	strace $0xD0000000  }
0x3: {  	_ = 	snop  }
0x4: {  	_ = 	snop  }
0x5: {  	_ = 	snop  }
0x6: {  	_ = 	snop  }
0x7: {  	_ = 	snop  }
__scs_overlays_trampoline_lowered:
0x8: {  	[smem:$0x3FAA] =	sst s0  }
0x9: {  	[smem:$0x3FAB] =	sst s1  }
0xa: {  	[smem:$0x3FAC] =	sst s2  }
0xb: {  	[smem:$0x3FAD] =	sst s3  }
0xc: {  	[smem:$0x3FAE] =	sst s4  }
0xd: {  	[smem:$0x3FAF] =	sst s5  }
0xe: {  	[smem:$0x3FB0] =	sst s6  }
0xf: {  	[smem:$0x3FB1] =	sst s7  }
0x10: {  	[smem:$0x3FB2] =	sst s8  }
0x11: {  	[smem:$0x3FB3] =	sst s9;
	s0 =	simm.s32 @!p0 $0x0  }
0x12: {  	s1 =	sld [smem:$0x3F99];
	s0 =	simm.s32 @p0 $0x1  }
0x13: {  	[smem:$0x3FB4] =	sst s0;
	s0 =	simm.s32 @!p1 $0x0  }
0x14: {  	s2 =	sld [smem:$0x3F98];
	s0 =	simm.s32 @p1 $0x1  }
0x15: {  	[smem:$0x3FB5] =	sst s0;
	s0 =	simm.s32 @!p2 $0x0  }
0x16: {  	s3 =	sld [smem:$0x3FDB];
	s0 =	simm.s32 @p2 $0x1  }
0x17: {  	s4 =	simm.s32 $0x1BF5;
	[smem:$0x3FB7] =	sst s0  }
0x18: {  	s0 =	sld [smem:$0x3F9A];
	_ =	swait.ge [sflag:s4], $0x0  }
0x19: {  	s7 =	sld [smem:$0x3F9B]  }
0x1a: {  	s8 =	sadd.s32 $0xFFFFE003, lr  }
0x1b: {  	s9 =	sadd.s32 $0xFFFFFEF7, lr;
	s5 =	simm.s32 $0xFFFFFFFF;
	p2 =	slt.u32 s8, $0xFFFFF086  }
0x1c: {  	p1 =	slt.u32 s9, $0xF7A;
	s5 =	simm.s32 @!p2 $0x0  }
0x1d: {  	s5 =	simm.s32 @p1 $0x1;
	p0 =	seq.s32 s7, s2  }
0x1e: {  	s7 =	smul.u32 @!p0 $0xF7A, s2;
	p2 =	seq.s32 @!p0 s5, $0x0  }
0x1f: {  	s9 =	smul.u32 $0xF7A, s1;
	s8 =	simm.s32 @!p0 $0x1BF5;
	p2 =	por !p2, p0  }
0x20: {  	[sflag:s8] =	ssyncset.s32 @!p0 $0xFFFFF086;
	s6 =	sadd.s32 @!p0 s3, s7;
	s7 =	simm.s32 @!p0 $0x108  }
0x21: {  	s3 =	sadd.s32 s3, s9;
	s6 =	sadd.s32 @!p0 $0x88, s6;
	s7 =	simm.s32 @p2 $0x1082  }
0x22: {  	[simem:s7], [sflag:s8] =	dma.local @!p0 [hbm:s6], $0xF7A  }
0x23: {  	s9 =	sor.u32 $0xD0000000, s2;
	s6 =	simm.s32 $0x108;
	_ =	swait.ge @!p0 [sflag:s8], $0x0  }
0x24: {  	s3 =	sadd.s32 $0x88, s3;
	s6 =	simm.s32 @!p1 $0x1082;
	[sflag:s4] =	ssyncset.s32 $0xFFFFF086  }
0x25: {  	[simem:s6], [sflag:s4] =	dma.local [hbm:s3], $0xF7A  }
0x26: {  	[smem:$0x3F9B] =	sst s1;
	(tag) =	ssettag s2;
	_ =	strace s9  }
0x27: {  	s1 =	sld [smem:$0x3FAB]  }
0x28: {  	s2 =	sld [smem:$0x3FAC]  }
0x29: {  	s4 =	sld [smem:$0x3FAE]  }
0x2a: {  	p0 =	seq.s32 s5, $0x0;
	s5 =	sld [smem:$0x3FAF]  }
0x2b: {  	s6 =	sld [smem:$0x3FB0]  }
0x2c: {  	s7 =	sld [smem:$0x3FB1]  }
0x2d: {  	s3 =	simm.s32 $0x108;
	s8 =	sld [smem:$0x3FB2]  }
0x2e: {  	s3 =	simm.s32 @!p0 $0x1082;
	s9 =	sld [smem:$0x3FB3]  }
0x2f: {  	lr =	sadd.s32 s0, s3;
	s0 =	sld [smem:$0x3FAA]  }
0x30: {  	s3 =	sld [smem:$0x3FAD]  }
0x31: {  	[smem:$0x3FB6] =	sst s10  }
0x32: {  	s10 =	sld [smem:$0x3FB4];
	_ =	sdelay $0x3  }
0x33: {  	p0 =	seq.s32 s10, $0x1;
	s10 =	sld [smem:$0x3FB6];
	_ =	sdelay $0x3  }
0x34: {  	[smem:$0x3FB6] =	sst s10  }
0x35: {  	s10 =	sld [smem:$0x3FB5];
	_ =	sdelay $0x3  }
0x36: {  	p1 =	seq.s32 s10, $0x1;
	s10 =	sld [smem:$0x3FB6];
	_ =	sdelay $0x3  }
0x37: {  	[smem:$0x3FB6] =	sst s10  }
0x38: {  	s10 =	sld [smem:$0x3FB7]  }
0x39: {  	_ = 	snop;
	(pc) =	sbr.ind lr, $3  }
0x3a: {  	_ = 	snop  }
0x3b: {  	_ = 	snop  }
0x3c: {  	p2 =	seq.s32 s10, $0x1;
	s10 =	sld [smem:$0x3FB6]  }
0x3d: {  	_ =	shalt  }
0x3e: {  	_ =	shalt  }
0x3f: {  	_ =	shalt  }
0x40: {  	_ =	shalt  }
0x41: {  	_ =	shalt  }
0x42: {  	_ =	shalt  }
0x43: {  	_ =	shalt  }
0x44: {  	_ =	shalt  }
0x45: {  	_ =	shalt  }
0x46: {  	_ =	shalt  }
0x47: {  	_ =	shalt  }
0x48: {  	_ =	shalt  }
0x49: {  	_ =	shalt  }
0x4a: {  	_ =	shalt  }
0x4b: {  	_ =	shalt  }
0x4c: {  	_ =	shalt  }
0x4d: {  	_ =	shalt  }
0x4e: {  	_ =	shalt  }
0x4f: {  	_ =	shalt  }
0x50: {  	_ =	shalt  }
0x51: {  	_ =	shalt  }
0x52: {  	_ =	shalt  }
0x53: {  	_ =	shalt  }
0x54: {  	_ =	shalt  }
0x55: {  	_ =	shalt  }
0x56: {  	_ =	shalt  }
0x57: {  	_ =	shalt  }
0x58: {  	_ =	shalt  }
0x59: {  	_ =	shalt  }
0x5a: {  	_ =	shalt  }
0x5b: {  	_ =	shalt  }
0x5c: {  	_ =	shalt  }
0x5d: {  	_ =	shalt  }
0x5e: {  	_ =	shalt  }
0x5f: {  	_ =	shalt  }
0x60: {  	_ =	shalt  }
0x61: {  	_ =	shalt  }
0x62: {  	_ =	shalt  }
0x63: {  	_ =	shalt  }
0x64: {  	_ =	shalt  }
0x65: {  	_ =	shalt  }
0x66: {  	_ =	shalt  }
0x67: {  	_ =	shalt  }
0x68: {  	_ =	shalt  }
0x69: {  	_ =	shalt  }
0x6a: {  	_ =	shalt  }
0x6b: {  	_ =	shalt  }
0x6c: {  	_ =	shalt  }
0x6d: {  	_ =	shalt  }
0x6e: {  	_ =	shalt  }
0x6f: {  	_ =	shalt  }
0x70: {  	_ =	shalt  }
0x71: {  	_ =	shalt  }
0x72: {  	_ =	shalt  }
0x73: {  	_ =	shalt  }
0x74: {  	_ =	shalt  }
0x75: {  	_ =	shalt  }
0x76: {  	_ =	shalt  }
0x77: {  	_ =	shalt  }
0x78: {  	_ =	shalt  }
0x79: {  	_ =	shalt  }
0x7a: {  	_ =	shalt  }
0x7b: {  	_ =	shalt  }
0x7c: {  	_ =	shalt  }
0x7d: {  	_ =	shalt  }
0x7e: {  	_ =	shalt  }
0x7f: {  	_ =	shalt  }
0x80: {  	_ =	shalt  }
0x81: {  	_ =	shalt  }
0x82: {  	_ =	shalt  }
0x83: {  	_ =	shalt  }
0x84: {  	_ =	shalt  }
0x85: {  	_ =	shalt  }
0x86: {  	_ =	shalt  }
0x87: {  	_ =	shalt  }
.Lfunc_end0:
.L_simem_size_0:
called_computation_lowered:
.L_overlay_start_0:
0x88: {  	s2 =	sld [smem:$0x3FD9]  }
0x89: {  	s3 =	sld [smem:$0x3FFE];
	_ =	sdelay $0x1  }
0x8a: {  	s1 =	srdreg.scid  }
0x8b: {  	s0 =	sand.u32 $0x1, s1  }
0x8c: {  	s16 =	sshll.u32 s0, $0xA;
	s2 =	sadd.s32 s3, s2  }
0x8d: {  	s2 =	sadd.s32 s2, s16  }
0x8e: {  	[smem:$0x3FC2] =	sst s2  }
0x8f: {  	_ = 	snop  }
0x90: {  	(tm) =	ssettm $0x1  }
0x91: {  	s17 =	sld [smem:$0x3FFB];
	_ =	sdelay $0x3  }
0x92: {  	_ =	strace s17  }
0x93: {  	s2 =	sld [smem:$0x3FFC];
	_ =	sdelay $0x3  }
0x94: {  	_ =	strace s2  }
0x95: {  	s2 =	sld [smem:$0x3FFD];
	_ =	sdelay $0x3  }
0x96: {  	_ =	strace s2  }
0x97: {  	_ =	strace $0x8FFFFFFF  }
0x98: {  	s18 =	sld [smem:$0x3FDB];
	_ =	sdelay $0x1  }
0x99: {  	s19 =	simm.s32 $_scs_section_size  }
0x9a: {  	s4 =	simm.s32 $_size__tile_overlayer_lowered;
	s5 =	simm.s32 $_tile_overlayer_lowered  }
0x9b: {  	s22 =	simm.s32 $0x1BFF;
	s21 =	sshll.u32 s5, $0x1;
	s2 =	sadd.s32 s19, s18  }
0x9c: {  	s6 =	simm.s32 $0x0;
	s20 =	sshll.u32 s4, $0x1;
	s4 =	sadd.s32 s21, s2  }
0x9d: {  	[timem:s6], [sflag:s22] =	dma.local [hbm:s4], s20  }
0x9e: {  	_ =	swait.ge [sflag:s22], s20  }
0x9f: {  	s3 =	ssub.s32 $0x0, s20;
	[sflag:s22] =	ssyncset.done $0x0  }
0xa0: {  	[sflag:s22] =	ssyncadd.s32 s3;
	_ =	sdelay $0x1  }
0xa1: {  	s23 =	simm.s32 $0x1B8B  }
0xa2: {  	_ =	swait.ge [sflag:s23], $0x1  }
0xa3: {  	[sflag:s23] =	ssyncset.done $0x0  }
0xa4: {  	s25 =	simm.s32 $0x1B8E;
	s24 =	sld [smem:$0x3FFE];
	[sflag:s23] =	ssyncadd.s32 $0xFFFFFFFF  }
0xa5: {  	s26 =	simm.s32 $execute0_lowered;
	[smem:$0x3FD2] =	sst s25  }
0xa6: {  	s4 =	sshll.u32 s26, $0x1;
	_ =	strace $0x80000046;
	[dreg:$0x1] =	wrdreg $0xFFFFFFFF  }
0xa7: {  	s28 =	simm.s32 $_size_execute0_lowered;
	s2 =	sadd.s32 s2, s4;
	[dreg:$0x0] =	wrdreg $0x0  }
0xa8: {  	s4 =	sshll.u32 s28, $0x1;
	[dreg:$0x2] =	wrdreg s2  }
0xa9: {  	[dreg:$0x3] =	wrdreg s4  }
0xaa: {  	[dreg:$0x4] =	wrdreg $0xC0  }
0xab: {  	_ =	task [dreg:s6], $0x5FFFF  }
0xac: {  	[dreg:$0x1] =	wrdreg $0xFFFFFFFF  }
0xad: {  	[dreg:$0x0] =	wrdreg $0x60  }
0xae: {  	[dreg:$0x2] =	wrdreg s24  }
0xaf: {  	[dreg:$0x3] =	wrdreg $0x40800  }
0xb0: {  	[dreg:$0x4] =	wrdreg $0x9  }
0xb1: {  	_ =	task.clear_ibuf [dreg:s6], $0x5FFFF;
	_ =	strace $0x90000046  }
0xb2: {  	s29 =	simm.s32 $0x9;
	_ =	strace $0x80000048  }
0xb3: {  	_ =	swait.ge [sflag:s29], $0x1  }
0xb4: {  	[sflag:s29] =	ssyncadd.s32 $0xFFFFFFFF  }
0xb5: {  	_ =	strace $0x90000048  }
0xb6: {  	_ =	sfence  }
0xb7: {  	s30 =	sld [smem:$0x0];
	_ =	sdelay $0x2  }
0xb8: {  	s31 =	sshll.u32 s1, $0xD;
	s1 =	sshrl.u32 s1, $0x2  }
0xb9: {  	s3 =	sand.u32 $0x4000, s31;
	s1 =	sadd.s32 s1, s30  }
0xba: {  	s0 =	sor.u32 s3, s0;
	s1 =	sshll.u32 s1, $0x11  }
0xbb: {  	s0 =	sor.u32 s1, s0  }
0xbc: {  	s0 =	sadd.s32 $0x8F2B, s0  }
0xbd: {  	[sflag:s0] =	ssyncadd.remote.s32 $0x1  }
0xbe: {  	_ =	sfence.sel $0xFFFF  }
0xbf: {  	[dreg:$0x0] =	wrdreg $0xFFFFFFFF;
	(pc) =	sbr.abs _section_cstart, $3  }
0xc0: {  	[dreg:$0x1] =	wrdreg $0xFFFFFFFF  }
0xc1: {  	_ =	task.clear_ibuf [dreg:s6], $0x2FFFF;
	_ =	strace $0x9FFFFFFF  }
0xc2: {  	(tm) =	ssettm $0x7FFFFFFF  }
0xc3: {  	_ =	shalt  }
tec
execute0_lowered:
.L_overlay_start_1:
0x0: {  	(tag) =	ssettag $0x1  }
0x1: {  	s0 =	srdreg.scid;
	s5 =	rddreg [dreg:$0x0]  }
0x2: {  	s2 =	rddreg [dreg:$0x1];
	s6 =	sand.u32 $0x1, s0  }
0x3: {  	s0 =	stileid.u32;
	s4 =	smul.u32 $0x27800, s6  }
0x4: {  	s1 =	rddreg [dreg:$0x2];
	s3 =	simm.s32 $0x0;
	s7 =	smul.u32 $0x2780, s0  }
0x5: {  	s13 =	simm.s32 $0x0;
	[smem:$0x7FF] =	sst s3;
	s26 =	smul.u32 $0x2800, s0  }
0x6: {  	_ =	strace $0x80000047;
	s8 =	smul.u32 $0x28000, s6;
	s6 =	ssub.s32 $0x2, s6  }
0x7: {  	s10 =	smul.u32 $0x50000, s0;
	s31 =	sshll.u32 s0, $0x6;
	s28 =	sshrl.u32 s6, $0x1  }
0x8: {  	s4 =	sadd.s32 s7, s4;
	s11 =	sadd.s32 s26, s5;
	s7 =	sadd.s32 s26, s8  }
0x9: {  	s29 =	sshrl.u32 s10, $0x2;
	s30 =	ssub.s32 s6, s28;
	s6 =	sor.u32 $0x1C01, s31  }
0xa: {  	s4 =	sshrl.u32 s4, $0x3;
	s7 =	sadd.s32 s7, s5;
	s12 =	sadd.s32 s29, s2  }
0xb: {  	s8 =	smax.u32 s30, $0x1;
	s9 =	sadd.s32 s4, s5;
	s4 =	sadd.s32 $0x33C00, s5  }
0xc: {  	s5 =	sadd.s32 $0xBC00, s11;
	s7 =	sadd.s32 $0x34400, s7;
	s10 =	sshrl.u32 s12, $0x3  }
0xd: {  	s11 =	simm.s32 $0x1;
	s12 =	simm.s32 $0x80;
	s9 =	sadd.s32 $0x1E00, s9  }
.LBB2_1:
0xe: {  	[spmem:s10], [sflag:s6] =	dma.local [hbm:s5], $0x2800  }
0xf: {  	_ =	swait.ge [sflag:s11], $0x2800  }
0x10: {  	[sflag:s11] =	ssyncset.done $0x0  }
0x11: {  	[sflag:s11] =	ssyncadd.s32 $0xFFFFD800  }
0x12: {  	[tilespmem:s12], [sflag:$0x1] =	stream.linear.gather [hbm4b:s4+s3], $0x4000, $0x38;
	[tilespmem:$0x18080] =	vst v63  }
0x13: {  	_ =	swait.ge [sflag:s11], $0x4000  }
0x14: {  	[sflag:s11] =	ssyncset.done $0x0  }
0x15: {  	[sflag:s11] =	ssyncadd.s32 $0xFFFFC000  }
0x16: {  	s14 =	sadd.s32 $0x0, s9;
	[bflag:$0x0] =	sbarrier.arrive $0xFFFF  }
0x17: {  	[tilespmem:s3], [sflag:$0x1] =	stream.linear.gather [hbm4b:s14+s3], $0x80, $0x38;
	[tilespmem:$0x18080] =	vst v63  }
0x18: {  	_ =	swait.ge [sflag:s11], $0x80  }
0x19: {  	[sflag:s11] =	ssyncset.done $0x0  }
0x1a: {  	[sflag:s11] =	ssyncadd.s32 $0xFFFFFF80  }
0x1b: {  	[spmem:s2] =	stream.indirect.scatter.add.f32 [tilespmem:s12], [sflag:$0x1], $0x80, s3, s12, $0xb8;
	[tilespmem:$0x18080] =	vst v63  }
0x1c: {  	_ =	swait.ge [sflag:s11], $0x4000  }
0x1d: {  	s15 =	simm.s32 $0x20;
	s14 =	simm.s32 $0x10;
	[sflag:s11] =	ssyncset.done $0x0  }
.LBB2_2:
0x1e: {  	s16 =	sadd.s32 s14, s9  }
0x1f: {  	[sflag:s11] =	ssyncadd.s32 $0xFFFFC000;
	s14 =	smov.u32 s15;
	s17 =	sadd.s32 $0x10, s15  }
0x20: {  	[tilespmem:s3], [sflag:$0x1] =	stream.linear.gather [hbm4b:s16+s3], $0x80, $0x38;
	[tilespmem:$0x18080] =	vst v63  }
0x21: {  	p0 =	sne.s32 s15, $0x4E0;
	_ =	swait.ge [sflag:s11], $0x80  }
.Ltmp0:
0x22: {  	[sflag:s11] =	ssyncset.done $0x0;
	(pc) =	sbr.rel @p0 .LBB2_2-.Ltmp0, $4  }
0x23: {  	[sflag:s11] =	ssyncadd.s32 $0xFFFFFF80  }
0x24: {  	[spmem:s2] =	stream.indirect.scatter.add.f32 [tilespmem:s12], [sflag:$0x1], $0x80, s3, s12, $0xb8;
	[tilespmem:$0x18080] =	vst v63  }
0x25: {  	_ =	swait.ge [sflag:s11], $0x4000  }
0x26: {  	s15 =	smov.u32 s17;
	[sflag:s11] =	ssyncset.done $0x0  }
0x27: {  	s14 =	sadd.s32 s14, s9;
	[sflag:s11] =	ssyncadd.s32 $0xFFFFC000  }
0x28: {  	[tilespmem:s3], [sflag:$0x1] =	stream.linear.gather [hbm4b:s14+s3], $0x80, $0x38;
	[tilespmem:$0x18080] =	vst v63  }
0x29: {  	_ =	swait.ge [sflag:s11], $0x80  }
0x2a: {  	[sflag:s11] =	ssyncset.done $0x0  }
0x2b: {  	[sflag:s11] =	ssyncadd.s32 $0xFFFFFF80  }
0x2c: {  	[spmem:s2] =	stream.indirect.scatter.add.f32 [tilespmem:s12], [sflag:$0x1], $0x80, s3, s12, $0xb8;
	[tilespmem:$0x18080] =	vst v63  }
0x2d: {  	_ =	swait.ge [sflag:s11], $0x4000  }
0x2e: {  	s13 =	sadd.s32 $0x1, s13;
	[sflag:s11] =	ssyncset.done $0x0  }
0x2f: {  	p0 =	sne.s32 s13, s8;
	[sflag:s11] =	ssyncadd.s32 $0xFFFFC000  }
.Ltmp1:
0x30: {  	[bflag:$0x0] =	sbarrier.arrive $0xFFFF;
	(pc) =	sbr.rel @p0 .LBB2_1-.Ltmp1, $4  }
0x31: {  	[hbm:s7], [sflag:s6] =	dma.local [spmem:s10], $0x2800  }
0x32: {  	_ =	swait.ge [sflag:s11], $0x2800  }
0x33: {  	[sflag:s11] =	ssyncset.done $0x0  }
0x34: {  	[sflag:s11] =	ssyncadd.s32 $0xFFFFD800  }
0x35: {  	_ =	sfence.sel $0x180000  }
0x36: {  	[bflag:$0x0] =	sbarrier.arrive $0xFFFF  }
0x37: {  	p0 =	sne.s32 s0, $0x0;
	_ =	strace $0x90000047  }
0x38: {  	s0 =	sadd.s32 @!p0 $0x100000, s1;
	[bflag:$0x2] =	sbarrier.arrive $0xFFFF  }
0x39: {  	[sflag:s0] =	ssyncadd.tile.s32 @!p0 $0x1;
	_ =	shalt  }
.Lfunc_end2:
_tile_overlayer_lowered:
.L_overlay_start_2:
0x3a: {  	(tag) =	ssettag $0x2  }
0x3b: {  	s0 =	rddreg [dreg:$0x0];
	s2 =	stileid.u32  }
0x3c: {  	s1 =	rddreg [dreg:$0x1];
	p0 =	sne.s32 s2, $0x0  }
0x3d: {  	s3 =	rddreg [dreg:$0x2];
	[bflag:$0x3] =	sbarrier.arrive $0xFFFF;
	s2 =	simm.s32 @!p0 $0x1C01  }
0x3e: {  	[timem:s3], [sflag:s2] =	dma.local @!p0 [hbm:s0], s1  }
0x3f: {  	s0 =	simm.s32 @!p0 $0x1  }
0x40: {  	_ =	swait.ge @!p0 [sflag:s0], s1  }
0x41: {  	s1 =	ssub.s32 @!p0 $0x0, s1;
	[sflag:s0] =	ssyncset.done @!p0 $0x0  }
0x42: {  	[sflag:s0] =	ssyncadd.s32 @!p0 s1  }
0x43: {  	[bflag:$0x3] =	sbarrier.arrive $0xFFFF  }
0x44: {  	_ =	shalt  }

</sc_bundles>
